<compile_context>
chip_gen: v7x
topology: tpu7x:2x2x1
jax: 0.10.2.dev20260603
libtpu: 0.0.44.dev20260713+nightly
codegen_flags: <defaults>
</compile_context>

<pallas_src>
import functools

import jax
import jax.numpy as jnp
from jax import lax
from jax.experimental import pallas as pl
from jax.experimental.pallas import tpu as pltpu
from jax.experimental.pallas import tpu_sc as plsc

_R = 8


def _make_embed(B: int, L: int, vocab: int, dim: int):
    info = plsc.get_sparse_core_info()
    nw = info.num_cores * info.num_subcores
    assert B % (nw * _R) == 0 and L % 8 == 0
    b_per_w = B // nw
    i_per_w = b_per_w * L
    n_outer = b_per_w // _R
    chunks = []
    off = 0
    while off < L:
        n = min(128, L - off)
        while n % 8:
            n -= 1
        chunks.append((off, n))
        off += n

    mesh = plsc.VectorSubcoreMesh(core_axis_name="c", subcore_axis_name="s")

    @functools.partial(
        pl.kernel,
        mesh=mesh,
        compiler_params=pltpu.CompilerParams(use_tc_tiling_on_sc=False),
        out_type=jax.ShapeDtypeStruct((B, L, dim), jnp.float32),
        scratch_types=[
            pltpu.VMEM((i_per_w,), jnp.int32),
            pltpu.VMEM((_R, L, dim), jnp.float32),
            pltpu.SemaphoreType.DMA,
        ] + [pltpu.SemaphoreType.DMA] * _R,
    )
    def embed(table_hbm, idx_hbm, out_hbm, idx_v, rows_v, isem, *sems):
        wid = lax.axis_index("s") * info.num_cores + lax.axis_index("c")
        b0 = wid * b_per_w
        ibase = pl.multiple_of(wid * i_per_w, i_per_w)

        pltpu.async_copy(idx_hbm.at[pl.ds(ibase, i_per_w)], idx_v, isem).wait()

        def gather(b, s):
            ib = pl.multiple_of(b * L, 8)
            for (o, n) in chunks:
                pltpu.async_copy(
                    table_hbm.at[idx_v.at[pl.ds(ib + o, n)]],
                    rows_v.at[s, pl.ds(o, n)], sems[s])

        def wait_slot(s):
            pltpu.make_async_copy(
                table_hbm.at[pl.ds(0, L)], rows_v.at[s], sems[s]).wait()

        def store(b, s):
            pltpu.async_copy(rows_v.at[s], out_hbm.at[b0 + b], sems[s])

        for s in range(_R):
            gather(s, s)

        def body(g, _):
            for s in range(_R):
                b = g * _R + s
                wait_slot(s)
                store(b, s)
                @pl.when(g < n_outer - 1)
                def _():
                    wait_slot(s)
                    gather(b + _R, s)
            return 0

        lax.fori_loop(0, n_outer, body, 0, unroll=False)

        for s in range(_R):
            wait_slot(s)

    return embed


def kernel(x, W):
    B, L = x.shape
    V, D = W.shape
    embed = _make_embed(B, L, V, D)
    return embed(W, x.reshape(B * L))

# --- scband reference (transcript-rebuilt; emitter-appended) ---
"""Pipeline reference for scband-token-embedding-29231547417128 (READ-ONLY COPY).

The authoritative reference and input builder live on the scoring server;
editing this copy changes nothing except your own understanding.
"""

import jax, jax.numpy as jnp
import numpy as np

VOCAB = 1000000
DIM = 64
B = 4096
L = 200

def setup_inputs(seed: int = 0) -> dict:
    key = jax.random.key(seed)
    k1, k2 = jax.random.split(key)
    x = jax.random.randint(k1, (B, L), 0, VOCAB, dtype=jnp.int64 if jax.config.jax_enable_x64 else jnp.int32)
    W = jax.random.normal(k2, (VOCAB, DIM), dtype=jnp.float32) * 0.02
    return {"x": x, "W": W}

def reference(x, W):
    # word_embeddings(x) -> table gather; dropout p=0.0 is identity
    X = jnp.take(W, x, axis=0)
    return X

if __name__ == "__main__":
    import jax
    _d = setup_inputs()
    print(jax.jit(kernel)(*tuple(_d.values())))

</pallas_src>

<mosaic_0001>
#map = affine_map<(d0, d1) -> (0, 0)>
#map1 = affine_map<(d0, d1) -> (0)>
#map2 = affine_map<(d0, d1) -> (0, 0, 0)>
module attributes {stable_mosaic.version = 14 : i64} {
  func.func @embed(%arg0: i32, %arg1: i32, %arg2: memref<1000000x64xf32, #tpu.memory_space<hbm>>, %arg3: memref<819200xi32, #tpu.memory_space<hbm>>, %arg4: memref<4096x200x64xf32, #tpu.memory_space<hbm>>, %arg5: memref<25600xi32, #tpu.memory_space<vmem>>, %arg6: memref<8x200x64xf32, #tpu.memory_space<vmem>>, %arg7: memref<!tpu.dma_semaphore, #tpu.memory_space<semaphore_mem>>, %arg8: memref<!tpu.dma_semaphore, #tpu.memory_space<semaphore_mem>>, %arg9: memref<!tpu.dma_semaphore, #tpu.memory_space<semaphore_mem>>, %arg10: memref<!tpu.dma_semaphore, #tpu.memory_space<semaphore_mem>>, %arg11: memref<!tpu.dma_semaphore, #tpu.memory_space<semaphore_mem>>, %arg12: memref<!tpu.dma_semaphore, #tpu.memory_space<semaphore_mem>>, %arg13: memref<!tpu.dma_semaphore, #tpu.memory_space<semaphore_mem>>, %arg14: memref<!tpu.dma_semaphore, #tpu.memory_space<semaphore_mem>>, %arg15: memref<!tpu.dma_semaphore, #tpu.memory_space<semaphore_mem>>) attributes {dimension_semantics = [#tpu.dimension_semantics<core_parallel>, #tpu.dimension_semantics<subcore_parallel>], iteration_bounds = array<i64: 2, 16>, scalar_prefetch = 0 : i64, scratch_operands = 11 : i64, tpu.core_type = #tpu.core_type<sc_vector_subcore>, window_params = [{transform_indices = #map}, {transform_indices = #map1}, {transform_indices = #map2}]} {
    %mul3A = arith.constant 2 : i32
    %mul3A_0 = arith.muli %arg1, %mul3A : i32
    %add3A = arith.addi %mul3A_0, %arg0 : i32
    %mul3A_1 = arith.constant 128 : i32
    %mul3A_2 = arith.muli %add3A, %mul3A_1 : i32
    %mul3A_3 = arith.constant 25600 : i32
    %mul3A_4 = arith.muli %add3A, %mul3A_3 : i32
    %multiple_of3A = tpu.assume_multiple %mul3A_4, 25600 : i32
    %dma_start3A = tpu.memref_slice %arg3[%multiple_of3A] : memref<819200xi32, #tpu.memory_space<hbm>> -> memref<25600xi32, #tpu.memory_space<hbm>>
    %dma_start3A_5 = tpu.memref_slice %arg3[%multiple_of3A] : memref<819200xi32, #tpu.memory_space<hbm>> -> memref<25600xi32, #tpu.memory_space<hbm>>
    tpu.enqueue_dma source(%dma_start3A_5 : memref<25600xi32, #tpu.memory_space<hbm>>) target(%arg5 : memref<25600xi32, #tpu.memory_space<vmem>>) target_semaphore(%arg7 : memref<!tpu.dma_semaphore, #tpu.memory_space<semaphore_mem>>)
    %dma_wait3A = tpu.memref_slice %arg3[%multiple_of3A] : memref<819200xi32, #tpu.memory_space<hbm>> -> memref<25600xi32, #tpu.memory_space<hbm>>
    %dma_wait3A_6 = tpu.memref_slice %arg3[%multiple_of3A] : memref<819200xi32, #tpu.memory_space<hbm>> -> memref<25600xi32, #tpu.memory_space<hbm>>
    tpu.wait_dma2 semaphore(%arg7 : memref<!tpu.dma_semaphore, #tpu.memory_space<semaphore_mem>>) src(%dma_wait3A_6 : memref<25600xi32, #tpu.memory_space<hbm>>) dst(%arg5 : memref<25600xi32, #tpu.memory_space<vmem>>)
    %multiple_of3A_7 = arith.constant 0 : i32
    %multiple_of3A_8 = tpu.assume_multiple %multiple_of3A_7, 8 : i32
    %add3A_9 = arith.constant 0 : i32
    %add3A_10 = arith.addi %multiple_of3A_8, %add3A_9 : i32
    %dma_start3A_11 = arith.constant 0 : i32
    %dma_start3A_12 = arith.constant 0 : i32
    %dma_start3A_13 = arith.constant 0 : i32
    %dma_start3A_14 = tpu.memref_slice %arg6[%dma_start3A_11, %dma_start3A_12, %dma_start3A_13] : memref<8x200x64xf32, #tpu.memory_space<vmem>> -> memref<1x128x64xf32, #tpu.memory_space<vmem>>
    %dma_start3A_15 = tpu.memref_squeeze %dma_start3A_14 : memref<1x128x64xf32, #tpu.memory_space<vmem>> -> memref<128x64xf32, #tpu.memory_space<vmem>>
    %dma_start3A_16 = tpu.memref_slice %arg5[%add3A_10] : memref<25600xi32, #tpu.memory_space<vmem>> -> memref<128xi32, #tpu.memory_space<vmem>>
    %dma_start3A_17 = arith.constant 0 : i32
    %dma_start3A_18 = arith.constant 0 : i32
    %dma_start3A_19 = tpu.memref_slice %arg2[%dma_start3A_17, %dma_start3A_18] : memref<1000000x64xf32, #tpu.memory_space<hbm>> -> memref<1000000x64xf32, #tpu.memory_space<hbm>>
    tpu.enqueue_indirect_dma source(%dma_start3A_19 : memref<1000000x64xf32, #tpu.memory_space<hbm>>) target(%dma_start3A_15 : memref<128x64xf32, #tpu.memory_space<vmem>>) offsets(%dma_start3A_16 : memref<128xi32, #tpu.memory_space<vmem>>) semaphore(%arg8 : memref<!tpu.dma_semaphore, #tpu.memory_space<semaphore_mem>>)
    %add3A_20 = arith.constant 128 : i32
    %add3A_21 = arith.addi %multiple_of3A_8, %add3A_20 : i32
    %dma_start3A_22 = arith.constant 0 : i32
    %dma_start3A_23 = arith.constant 128 : i32
    %dma_start3A_24 = arith.constant 0 : i32
    %dma_start3A_25 = tpu.memref_slice %arg6[%dma_start3A_22, %dma_start3A_23, %dma_start3A_24] : memref<8x200x64xf32, #tpu.memory_space<vmem>> -> memref<1x72x64xf32, #tpu.memory_space<vmem>>
    %dma_start3A_26 = tpu.memref_squeeze %dma_start3A_25 : memref<1x72x64xf32, #tpu.memory_space<vmem>> -> memref<72x64xf32, #tpu.memory_space<vmem>>
    %dma_start3A_27 = tpu.memref_slice %arg5[%add3A_21] : memref<25600xi32, #tpu.memory_space<vmem>> -> memref<72xi32, #tpu.memory_space<vmem>>
    %dma_start3A_28 = arith.constant 0 : i32
    %dma_start3A_29 = arith.constant 0 : i32
    %dma_start3A_30 = tpu.memref_slice %arg2[%dma_start3A_28, %dma_start3A_29] : memref<1000000x64xf32, #tpu.memory_space<hbm>> -> memref<1000000x64xf32, #tpu.memory_space<hbm>>
    tpu.enqueue_indirect_dma source(%dma_start3A_30 : memref<1000000x64xf32, #tpu.memory_space<hbm>>) target(%dma_start3A_26 : memref<72x64xf32, #tpu.memory_space<vmem>>) offsets(%dma_start3A_27 : memref<72xi32, #tpu.memory_space<vmem>>) semaphore(%arg8 : memref<!tpu.dma_semaphore, #tpu.memory_space<semaphore_mem>>)
    %multiple_of3A_31 = arith.constant 200 : i32
    %multiple_of3A_32 = tpu.assume_multiple %multiple_of3A_31, 8 : i32
    %add3A_33 = arith.constant 0 : i32
    %add3A_34 = arith.addi %multiple_of3A_32, %add3A_33 : i32
    %dma_start3A_35 = arith.constant 1 : i32
    %dma_start3A_36 = arith.constant 0 : i32
    %dma_start3A_37 = arith.constant 0 : i32
    %dma_start3A_38 = tpu.memref_slice %arg6[%dma_start3A_35, %dma_start3A_36, %dma_start3A_37] : memref<8x200x64xf32, #tpu.memory_space<vmem>> -> memref<1x128x64xf32, #tpu.memory_space<vmem>>
    %dma_start3A_39 = tpu.memref_squeeze %dma_start3A_38 : memref<1x128x64xf32, #tpu.memory_space<vmem>> -> memref<128x64xf32, #tpu.memory_space<vmem>>
    %dma_start3A_40 = tpu.memref_slice %arg5[%add3A_34] : memref<25600xi32, #tpu.memory_space<vmem>> -> memref<128xi32, #tpu.memory_space<vmem>>
    %dma_start3A_41 = arith.constant 0 : i32
    %dma_start3A_42 = arith.constant 0 : i32
    %dma_start3A_43 = tpu.memref_slice %arg2[%dma_start3A_41, %dma_start3A_42] : memref<1000000x64xf32, #tpu.memory_space<hbm>> -> memref<1000000x64xf32, #tpu.memory_space<hbm>>
    tpu.enqueue_indirect_dma source(%dma_start3A_43 : memref<1000000x64xf32, #tpu.memory_space<hbm>>) target(%dma_start3A_39 : memref<128x64xf32, #tpu.memory_space<vmem>>) offsets(%dma_start3A_40 : memref<128xi32, #tpu.memory_space<vmem>>) semaphore(%arg9 : memref<!tpu.dma_semaphore, #tpu.memory_space<semaphore_mem>>)
    %add3A_44 = arith.constant 128 : i32
    %add3A_45 = arith.addi %multiple_of3A_32, %add3A_44 : i32
    %dma_start3A_46 = arith.constant 1 : i32
    %dma_start3A_47 = arith.constant 128 : i32
    %dma_start3A_48 = arith.constant 0 : i32
    %dma_start3A_49 = tpu.memref_slice %arg6[%dma_start3A_46, %dma_start3A_47, %dma_start3A_48] : memref<8x200x64xf32, #tpu.memory_space<vmem>> -> memref<1x72x64xf32, #tpu.memory_space<vmem>>
    %dma_start3A_50 = tpu.memref_squeeze %dma_start3A_49 : memref<1x72x64xf32, #tpu.memory_space<vmem>> -> memref<72x64xf32, #tpu.memory_space<vmem>>
    %dma_start3A_51 = tpu.memref_slice %arg5[%add3A_45] : memref<25600xi32, #tpu.memory_space<vmem>> -> memref<72xi32, #tpu.memory_space<vmem>>
    %dma_start3A_52 = arith.constant 0 : i32
    %dma_start3A_53 = arith.constant 0 : i32
    %dma_start3A_54 = tpu.memref_slice %arg2[%dma_start3A_52, %dma_start3A_53] : memref<1000000x64xf32, #tpu.memory_space<hbm>> -> memref<1000000x64xf32, #tpu.memory_space<hbm>>
    tpu.enqueue_indirect_dma source(%dma_start3A_54 : memref<1000000x64xf32, #tpu.memory_space<hbm>>) target(%dma_start3A_50 : memref<72x64xf32, #tpu.memory_space<vmem>>) offsets(%dma_start3A_51 : memref<72xi32, #tpu.memory_space<vmem>>) semaphore(%arg9 : memref<!tpu.dma_semaphore, #tpu.memory_space<semaphore_mem>>)
    %multiple_of3A_55 = arith.constant 400 : i32
    %multiple_of3A_56 = tpu.assume_multiple %multiple_of3A_55, 8 : i32
    %add3A_57 = arith.constant 0 : i32
    %add3A_58 = arith.addi %multiple_of3A_56, %add3A_57 : i32
    %dma_start3A_59 = arith.constant 2 : i32
    %dma_start3A_60 = arith.constant 0 : i32
    %dma_start3A_61 = arith.constant 0 : i32
    %dma_start3A_62 = tpu.memref_slice %arg6[%dma_start3A_59, %dma_start3A_60, %dma_start3A_61] : memref<8x200x64xf32, #tpu.memory_space<vmem>> -> memref<1x128x64xf32, #tpu.memory_space<vmem>>
    %dma_start3A_63 = tpu.memref_squeeze %dma_start3A_62 : memref<1x128x64xf32, #tpu.memory_space<vmem>> -> memref<128x64xf32, #tpu.memory_space<vmem>>
    %dma_start3A_64 = tpu.memref_slice %arg5[%add3A_58] : memref<25600xi32, #tpu.memory_space<vmem>> -> memref<128xi32, #tpu.memory_space<vmem>>
    %dma_start3A_65 = arith.constant 0 : i32
    %dma_start3A_66 = arith.constant 0 : i32
    %dma_start3A_67 = tpu.memref_slice %arg2[%dma_start3A_65, %dma_start3A_66] : memref<1000000x64xf32, #tpu.memory_space<hbm>> -> memref<1000000x64xf32, #tpu.memory_space<hbm>>
    tpu.enqueue_indirect_dma source(%dma_start3A_67 : memref<1000000x64xf32, #tpu.memory_space<hbm>>) target(%dma_start3A_63 : memref<128x64xf32, #tpu.memory_space<vmem>>) offsets(%dma_start3A_64 : memref<128xi32, #tpu.memory_space<vmem>>) semaphore(%arg10 : memref<!tpu.dma_semaphore, #tpu.memory_space<semaphore_mem>>)
    %add3A_68 = arith.constant 128 : i32
    %add3A_69 = arith.addi %multiple_of3A_56, %add3A_68 : i32
    %dma_start3A_70 = arith.constant 2 : i32
    %dma_start3A_71 = arith.constant 128 : i32
    %dma_start3A_72 = arith.constant 0 : i32
    %dma_start3A_73 = tpu.memref_slice %arg6[%dma_start3A_70, %dma_start3A_71, %dma_start3A_72] : memref<8x200x64xf32, #tpu.memory_space<vmem>> -> memref<1x72x64xf32, #tpu.memory_space<vmem>>
    %dma_start3A_74 = tpu.memref_squeeze %dma_start3A_73 : memref<1x72x64xf32, #tpu.memory_space<vmem>> -> memref<72x64xf32, #tpu.memory_space<vmem>>
    %dma_start3A_75 = tpu.memref_slice %arg5[%add3A_69] : memref<25600xi32, #tpu.memory_space<vmem>> -> memref<72xi32, #tpu.memory_space<vmem>>
    %dma_start3A_76 = arith.constant 0 : i32
    %dma_start3A_77 = arith.constant 0 : i32
    %dma_start3A_78 = tpu.memref_slice %arg2[%dma_start3A_76, %dma_start3A_77] : memref<1000000x64xf32, #tpu.memory_space<hbm>> -> memref<1000000x64xf32, #tpu.memory_space<hbm>>
    tpu.enqueue_indirect_dma source(%dma_start3A_78 : memref<1000000x64xf32, #tpu.memory_space<hbm>>) target(%dma_start3A_74 : memref<72x64xf32, #tpu.memory_space<vmem>>) offsets(%dma_start3A_75 : memref<72xi32, #tpu.memory_space<vmem>>) semaphore(%arg10 : memref<!tpu.dma_semaphore, #tpu.memory_space<semaphore_mem>>)
    %multiple_of3A_79 = arith.constant 600 : i32
    %multiple_of3A_80 = tpu.assume_multiple %multiple_of3A_79, 8 : i32
    %add3A_81 = arith.constant 0 : i32
    %add3A_82 = arith.addi %multiple_of3A_80, %add3A_81 : i32
    %dma_start3A_83 = arith.constant 3 : i32
    %dma_start3A_84 = arith.constant 0 : i32
    %dma_start3A_85 = arith.constant 0 : i32
    %dma_start3A_86 = tpu.memref_slice %arg6[%dma_start3A_83, %dma_start3A_84, %dma_start3A_85] : memref<8x200x64xf32, #tpu.memory_space<vmem>> -> memref<1x128x64xf32, #tpu.memory_space<vmem>>
    %dma_start3A_87 = tpu.memref_squeeze %dma_start3A_86 : memref<1x128x64xf32, #tpu.memory_space<vmem>> -> memref<128x64xf32, #tpu.memory_space<vmem>>
    %dma_start3A_88 = tpu.memref_slice %arg5[%add3A_82] : memref<25600xi32, #tpu.memory_space<vmem>> -> memref<128xi32, #tpu.memory_space<vmem>>
    %dma_start3A_89 = arith.constant 0 : i32
    %dma_start3A_90 = arith.constant 0 : i32
    %dma_start3A_91 = tpu.memref_slice %arg2[%dma_start3A_89, %dma_start3A_90] : memref<1000000x64xf32, #tpu.memory_space<hbm>> -> memref<1000000x64xf32, #tpu.memory_space<hbm>>
    tpu.enqueue_indirect_dma source(%dma_start3A_91 : memref<1000000x64xf32, #tpu.memory_space<hbm>>) target(%dma_start3A_87 : memref<128x64xf32, #tpu.memory_space<vmem>>) offsets(%dma_start3A_88 : memref<128xi32, #tpu.memory_space<vmem>>) semaphore(%arg11 : memref<!tpu.dma_semaphore, #tpu.memory_space<semaphore_mem>>)
    %add3A_92 = arith.constant 128 : i32
    %add3A_93 = arith.addi %multiple_of3A_80, %add3A_92 : i32
    %dma_start3A_94 = arith.constant 3 : i32
    %dma_start3A_95 = arith.constant 128 : i32
    %dma_start3A_96 = arith.constant 0 : i32
    %dma_start3A_97 = tpu.memref_slice %arg6[%dma_start3A_94, %dma_start3A_95, %dma_start3A_96] : memref<8x200x64xf32, #tpu.memory_space<vmem>> -> memref<1x72x64xf32, #tpu.memory_space<vmem>>
    %dma_start3A_98 = tpu.memref_squeeze %dma_start3A_97 : memref<1x72x64xf32, #tpu.memory_space<vmem>> -> memref<72x64xf32, #tpu.memory_space<vmem>>
    %dma_start3A_99 = tpu.memref_slice %arg5[%add3A_93] : memref<25600xi32, #tpu.memory_space<vmem>> -> memref<72xi32, #tpu.memory_space<vmem>>
    %dma_start3A_100 = arith.constant 0 : i32
    %dma_start3A_101 = arith.constant 0 : i32
    %dma_start3A_102 = tpu.memref_slice %arg2[%dma_start3A_100, %dma_start3A_101] : memref<1000000x64xf32, #tpu.memory_space<hbm>> -> memref<1000000x64xf32, #tpu.memory_space<hbm>>
    tpu.enqueue_indirect_dma source(%dma_start3A_102 : memref<1000000x64xf32, #tpu.memory_space<hbm>>) target(%dma_start3A_98 : memref<72x64xf32, #tpu.memory_space<vmem>>) offsets(%dma_start3A_99 : memref<72xi32, #tpu.memory_space<vmem>>) semaphore(%arg11 : memref<!tpu.dma_semaphore, #tpu.memory_space<semaphore_mem>>)
    %multiple_of3A_103 = arith.constant 800 : i32
    %multiple_of3A_104 = tpu.assume_multiple %multiple_of3A_103, 8 : i32
    %add3A_105 = arith.constant 0 : i32
    %add3A_106 = arith.addi %multiple_of3A_104, %add3A_105 : i32
    %dma_start3A_107 = arith.constant 4 : i32
    %dma_start3A_108 = arith.constant 0 : i32
    %dma_start3A_109 = arith.constant 0 : i32
    %dma_start3A_110 = tpu.memref_slice %arg6[%dma_start3A_107, %dma_start3A_108, %dma_start3A_109] : memref<8x200x64xf32, #tpu.memory_space<vmem>> -> memref<1x128x64xf32, #tpu.memory_space<vmem>>
    %dma_start3A_111 = tpu.memref_squeeze %dma_start3A_110 : memref<1x128x64xf32, #tpu.memory_space<vmem>> -> memref<128x64xf32, #tpu.memory_space<vmem>>
    %dma_start3A_112 = tpu.memref_slice %arg5[%add3A_106] : memref<25600xi32, #tpu.memory_space<vmem>> -> memref<128xi32, #tpu.memory_space<vmem>>
    %dma_start3A_113 = arith.constant 0 : i32
    %dma_start3A_114 = arith.constant 0 : i32
    %dma_start3A_115 = tpu.memref_slice %arg2[%dma_start3A_113, %dma_start3A_114] : memref<1000000x64xf32, #tpu.memory_space<hbm>> -> memref<1000000x64xf32, #tpu.memory_space<hbm>>
    tpu.enqueue_indirect_dma source(%dma_start3A_115 : memref<1000000x64xf32, #tpu.memory_space<hbm>>) target(%dma_start3A_111 : memref<128x64xf32, #tpu.memory_space<vmem>>) offsets(%dma_start3A_112 : memref<128xi32, #tpu.memory_space<vmem>>) semaphore(%arg12 : memref<!tpu.dma_semaphore, #tpu.memory_space<semaphore_mem>>)
    %add3A_116 = arith.constant 128 : i32
    %add3A_117 = arith.addi %multiple_of3A_104, %add3A_116 : i32
    %dma_start3A_118 = arith.constant 4 : i32
    %dma_start3A_119 = arith.constant 128 : i32
    %dma_start3A_120 = arith.constant 0 : i32
    %dma_start3A_121 = tpu.memref_slice %arg6[%dma_start3A_118, %dma_start3A_119, %dma_start3A_120] : memref<8x200x64xf32, #tpu.memory_space<vmem>> -> memref<1x72x64xf32, #tpu.memory_space<vmem>>
    %dma_start3A_122 = tpu.memref_squeeze %dma_start3A_121 : memref<1x72x64xf32, #tpu.memory_space<vmem>> -> memref<72x64xf32, #tpu.memory_space<vmem>>
    %dma_start3A_123 = tpu.memref_slice %arg5[%add3A_117] : memref<25600xi32, #tpu.memory_space<vmem>> -> memref<72xi32, #tpu.memory_space<vmem>>
    %dma_start3A_124 = arith.constant 0 : i32
    %dma_start3A_125 = arith.constant 0 : i32
    %dma_start3A_126 = tpu.memref_slice %arg2[%dma_start3A_124, %dma_start3A_125] : memref<1000000x64xf32, #tpu.memory_space<hbm>> -> memref<1000000x64xf32, #tpu.memory_space<hbm>>
    tpu.enqueue_indirect_dma source(%dma_start3A_126 : memref<1000000x64xf32, #tpu.memory_space<hbm>>) target(%dma_start3A_122 : memref<72x64xf32, #tpu.memory_space<vmem>>) offsets(%dma_start3A_123 : memref<72xi32, #tpu.memory_space<vmem>>) semaphore(%arg12 : memref<!tpu.dma_semaphore, #tpu.memory_space<semaphore_mem>>)
    %multiple_of3A_127 = arith.constant 1000 : i32
    %multiple_of3A_128 = tpu.assume_multiple %multiple_of3A_127, 8 : i32
    %add3A_129 = arith.constant 0 : i32
    %add3A_130 = arith.addi %multiple_of3A_128, %add3A_129 : i32
    %dma_start3A_131 = arith.constant 5 : i32
    %dma_start3A_132 = arith.constant 0 : i32
    %dma_start3A_133 = arith.constant 0 : i32
    %dma_start3A_134 = tpu.memref_slice %arg6[%dma_start3A_131, %dma_start3A_132, %dma_start3A_133] : memref<8x200x64xf32, #tpu.memory_space<vmem>> -> memref<1x128x64xf32, #tpu.memory_space<vmem>>
    %dma_start3A_135 = tpu.memref_squeeze %dma_start3A_134 : memref<1x128x64xf32, #tpu.memory_space<vmem>> -> memref<128x64xf32, #tpu.memory_space<vmem>>
    %dma_start3A_136 = tpu.memref_slice %arg5[%add3A_130] : memref<25600xi32, #tpu.memory_space<vmem>> -> memref<128xi32, #tpu.memory_space<vmem>>
    %dma_start3A_137 = arith.constant 0 : i32
    %dma_start3A_138 = arith.constant 0 : i32
    %dma_start3A_139 = tpu.memref_slice %arg2[%dma_start3A_137, %dma_start3A_138] : memref<1000000x64xf32, #tpu.memory_space<hbm>> -> memref<1000000x64xf32, #tpu.memory_space<hbm>>
    tpu.enqueue_indirect_dma source(%dma_start3A_139 : memref<1000000x64xf32, #tpu.memory_space<hbm>>) target(%dma_start3A_135 : memref<128x64xf32, #tpu.memory_space<vmem>>) offsets(%dma_start3A_136 : memref<128xi32, #tpu.memory_space<vmem>>) semaphore(%arg13 : memref<!tpu.dma_semaphore, #tpu.memory_space<semaphore_mem>>)
    %add3A_140 = arith.constant 128 : i32
    %add3A_141 = arith.addi %multiple_of3A_128, %add3A_140 : i32
    %dma_start3A_142 = arith.constant 5 : i32
    %dma_start3A_143 = arith.constant 128 : i32
    %dma_start3A_144 = arith.constant 0 : i32
    %dma_start3A_145 = tpu.memref_slice %arg6[%dma_start3A_142, %dma_start3A_143, %dma_start3A_144] : memref<8x200x64xf32, #tpu.memory_space<vmem>> -> memref<1x72x64xf32, #tpu.memory_space<vmem>>
    %dma_start3A_146 = tpu.memref_squeeze %dma_start3A_145 : memref<1x72x64xf32, #tpu.memory_space<vmem>> -> memref<72x64xf32, #tpu.memory_space<vmem>>
    %dma_start3A_147 = tpu.memref_slice %arg5[%add3A_141] : memref<25600xi32, #tpu.memory_space<vmem>> -> memref<72xi32, #tpu.memory_space<vmem>>
    %dma_start3A_148 = arith.constant 0 : i32
    %dma_start3A_149 = arith.constant 0 : i32
    %dma_start3A_150 = tpu.memref_slice %arg2[%dma_start3A_148, %dma_start3A_149] : memref<1000000x64xf32, #tpu.memory_space<hbm>> -> memref<1000000x64xf32, #tpu.memory_space<hbm>>
    tpu.enqueue_indirect_dma source(%dma_start3A_150 : memref<1000000x64xf32, #tpu.memory_space<hbm>>) target(%dma_start3A_146 : memref<72x64xf32, #tpu.memory_space<vmem>>) offsets(%dma_start3A_147 : memref<72xi32, #tpu.memory_space<vmem>>) semaphore(%arg13 : memref<!tpu.dma_semaphore, #tpu.memory_space<semaphore_mem>>)
    %multiple_of3A_151 = arith.constant 1200 : i32
    %multiple_of3A_152 = tpu.assume_multiple %multiple_of3A_151, 8 : i32
    %add3A_153 = arith.constant 0 : i32
    %add3A_154 = arith.addi %multiple_of3A_152, %add3A_153 : i32
    %dma_start3A_155 = arith.constant 6 : i32
    %dma_start3A_156 = arith.constant 0 : i32
    %dma_start3A_157 = arith.constant 0 : i32
    %dma_start3A_158 = tpu.memref_slice %arg6[%dma_start3A_155, %dma_start3A_156, %dma_start3A_157] : memref<8x200x64xf32, #tpu.memory_space<vmem>> -> memref<1x128x64xf32, #tpu.memory_space<vmem>>
    %dma_start3A_159 = tpu.memref_squeeze %dma_start3A_158 : memref<1x128x64xf32, #tpu.memory_space<vmem>> -> memref<128x64xf32, #tpu.memory_space<vmem>>
    %dma_start3A_160 = tpu.memref_slice %arg5[%add3A_154] : memref<25600xi32, #tpu.memory_space<vmem>> -> memref<128xi32, #tpu.memory_space<vmem>>
    %dma_start3A_161 = arith.constant 0 : i32
    %dma_start3A_162 = arith.constant 0 : i32
    %dma_start3A_163 = tpu.memref_slice %arg2[%dma_start3A_161, %dma_start3A_162] : memref<1000000x64xf32, #tpu.memory_space<hbm>> -> memref<1000000x64xf32, #tpu.memory_space<hbm>>
    tpu.enqueue_indirect_dma source(%dma_start3A_163 : memref<1000000x64xf32, #tpu.memory_space<hbm>>) target(%dma_start3A_159 : memref<128x64xf32, #tpu.memory_space<vmem>>) offsets(%dma_start3A_160 : memref<128xi32, #tpu.memory_space<vmem>>) semaphore(%arg14 : memref<!tpu.dma_semaphore, #tpu.memory_space<semaphore_mem>>)
    %add3A_164 = arith.constant 128 : i32
    %add3A_165 = arith.addi %multiple_of3A_152, %add3A_164 : i32
    %dma_start3A_166 = arith.constant 6 : i32
    %dma_start3A_167 = arith.constant 128 : i32
    %dma_start3A_168 = arith.constant 0 : i32
    %dma_start3A_169 = tpu.memref_slice %arg6[%dma_start3A_166, %dma_start3A_167, %dma_start3A_168] : memref<8x200x64xf32, #tpu.memory_space<vmem>> -> memref<1x72x64xf32, #tpu.memory_space<vmem>>
    %dma_start3A_170 = tpu.memref_squeeze %dma_start3A_169 : memref<1x72x64xf32, #tpu.memory_space<vmem>> -> memref<72x64xf32, #tpu.memory_space<vmem>>
    %dma_start3A_171 = tpu.memref_slice %arg5[%add3A_165] : memref<25600xi32, #tpu.memory_space<vmem>> -> memref<72xi32, #tpu.memory_space<vmem>>
    %dma_start3A_172 = arith.constant 0 : i32
    %dma_start3A_173 = arith.constant 0 : i32
    %dma_start3A_174 = tpu.memref_slice %arg2[%dma_start3A_172, %dma_start3A_173] : memref<1000000x64xf32, #tpu.memory_space<hbm>> -> memref<1000000x64xf32, #tpu.memory_space<hbm>>
    tpu.enqueue_indirect_dma source(%dma_start3A_174 : memref<1000000x64xf32, #tpu.memory_space<hbm>>) target(%dma_start3A_170 : memref<72x64xf32, #tpu.memory_space<vmem>>) offsets(%dma_start3A_171 : memref<72xi32, #tpu.memory_space<vmem>>) semaphore(%arg14 : memref<!tpu.dma_semaphore, #tpu.memory_space<semaphore_mem>>)
    %multiple_of3A_175 = arith.constant 1400 : i32
    %multiple_of3A_176 = tpu.assume_multiple %multiple_of3A_175, 8 : i32
    %add3A_177 = arith.constant 0 : i32
    %add3A_178 = arith.addi %multiple_of3A_176, %add3A_177 : i32
    %dma_start3A_179 = arith.constant 7 : i32
    %dma_start3A_180 = arith.constant 0 : i32
    %dma_start3A_181 = arith.constant 0 : i32
    %dma_start3A_182 = tpu.memref_slice %arg6[%dma_start3A_179, %dma_start3A_180, %dma_start3A_181] : memref<8x200x64xf32, #tpu.memory_space<vmem>> -> memref<1x128x64xf32, #tpu.memory_space<vmem>>
    %dma_start3A_183 = tpu.memref_squeeze %dma_start3A_182 : memref<1x128x64xf32, #tpu.memory_space<vmem>> -> memref<128x64xf32, #tpu.memory_space<vmem>>
    %dma_start3A_184 = tpu.memref_slice %arg5[%add3A_178] : memref<25600xi32, #tpu.memory_space<vmem>> -> memref<128xi32, #tpu.memory_space<vmem>>
    %dma_start3A_185 = arith.constant 0 : i32
    %dma_start3A_186 = arith.constant 0 : i32
    %dma_start3A_187 = tpu.memref_slice %arg2[%dma_start3A_185, %dma_start3A_186] : memref<1000000x64xf32, #tpu.memory_space<hbm>> -> memref<1000000x64xf32, #tpu.memory_space<hbm>>
    tpu.enqueue_indirect_dma source(%dma_start3A_187 : memref<1000000x64xf32, #tpu.memory_space<hbm>>) target(%dma_start3A_183 : memref<128x64xf32, #tpu.memory_space<vmem>>) offsets(%dma_start3A_184 : memref<128xi32, #tpu.memory_space<vmem>>) semaphore(%arg15 : memref<!tpu.dma_semaphore, #tpu.memory_space<semaphore_mem>>)
    %add3A_188 = arith.constant 128 : i32
    %add3A_189 = arith.addi %multiple_of3A_176, %add3A_188 : i32
    %dma_start3A_190 = arith.constant 7 : i32
    %dma_start3A_191 = arith.constant 128 : i32
    %dma_start3A_192 = arith.constant 0 : i32
    %dma_start3A_193 = tpu.memref_slice %arg6[%dma_start3A_190, %dma_start3A_191, %dma_start3A_192] : memref<8x200x64xf32, #tpu.memory_space<vmem>> -> memref<1x72x64xf32, #tpu.memory_space<vmem>>
    %dma_start3A_194 = tpu.memref_squeeze %dma_start3A_193 : memref<1x72x64xf32, #tpu.memory_space<vmem>> -> memref<72x64xf32, #tpu.memory_space<vmem>>
    %dma_start3A_195 = tpu.memref_slice %arg5[%add3A_189] : memref<25600xi32, #tpu.memory_space<vmem>> -> memref<72xi32, #tpu.memory_space<vmem>>
    %dma_start3A_196 = arith.constant 0 : i32
    %dma_start3A_197 = arith.constant 0 : i32
    %dma_start3A_198 = tpu.memref_slice %arg2[%dma_start3A_196, %dma_start3A_197] : memref<1000000x64xf32, #tpu.memory_space<hbm>> -> memref<1000000x64xf32, #tpu.memory_space<hbm>>
    tpu.enqueue_indirect_dma source(%dma_start3A_198 : memref<1000000x64xf32, #tpu.memory_space<hbm>>) target(%dma_start3A_194 : memref<72x64xf32, #tpu.memory_space<vmem>>) offsets(%dma_start3A_195 : memref<72xi32, #tpu.memory_space<vmem>>) semaphore(%arg15 : memref<!tpu.dma_semaphore, #tpu.memory_space<semaphore_mem>>)
    %scan3A = arith.constant 0 : i32
    %scan3A_199 = arith.constant 0 : i32
    %scan3A_200 = arith.constant 16 : i32
    %scan3A_201 = arith.addi %scan3A_199, %scan3A_200 : i32
    %scan3A_202 = arith.constant 1 : i32
    %scan3A_203 = scf.for %scan3A_325 = %scan3A_199 to %scan3A_201 step %scan3A_202 iter_args(%scan3A_326 = %scan3A) -> (i32)  : i32 {
      %mul3A_327 = arith.constant 8 : i32
      %mul3A_328 = arith.muli %scan3A_325, %mul3A_327 : i32
      %add3A_329 = arith.constant 0 : i32
      %add3A_330 = arith.addi %mul3A_328, %add3A_329 : i32
      %dma_wait3A_331 = arith.constant 0 : i32
      %dma_wait3A_332 = arith.constant 0 : i32
      %dma_wait3A_333 = arith.constant 0 : i32
      %dma_wait3A_334 = tpu.memref_slice %arg6[%dma_wait3A_331, %dma_wait3A_332, %dma_wait3A_333] : memref<8x200x64xf32, #tpu.memory_space<vmem>> -> memref<1x200x64xf32, #tpu.memory_space<vmem>>
      %dma_wait3A_335 = tpu.memref_squeeze %dma_wait3A_334 : memref<1x200x64xf32, #tpu.memory_space<vmem>> -> memref<200x64xf32, #tpu.memory_space<vmem>>
      %dma_wait3A_336 = arith.constant 0 : i32
      %dma_wait3A_337 = arith.constant 0 : i32
      %dma_wait3A_338 = tpu.memref_slice %arg2[%dma_wait3A_336, %dma_wait3A_337] : memref<1000000x64xf32, #tpu.memory_space<hbm>> -> memref<200x64xf32, #tpu.memory_space<hbm>>
      %dma_wait3A_339 = arith.constant 0 : i32
      %dma_wait3A_340 = arith.constant 0 : i32
      %dma_wait3A_341 = tpu.memref_slice %arg6[%dma_wait3A_331, %dma_wait3A_339, %dma_wait3A_340] : memref<8x200x64xf32, #tpu.memory_space<vmem>> -> memref<1x200x64xf32, #tpu.memory_space<vmem>>
      %dma_wait3A_342 = tpu.memref_squeeze %dma_wait3A_341 : memref<1x200x64xf32, #tpu.memory_space<vmem>> -> memref<200x64xf32, #tpu.memory_space<vmem>>
      %dma_wait3A_343 = arith.constant 0 : i32
      %dma_wait3A_344 = arith.constant 0 : i32
      %dma_wait3A_345 = tpu.memref_slice %arg2[%dma_wait3A_343, %dma_wait3A_344] : memref<1000000x64xf32, #tpu.memory_space<hbm>> -> memref<200x64xf32, #tpu.memory_space<hbm>>
      tpu.wait_dma2 semaphore(%arg8 : memref<!tpu.dma_semaphore, #tpu.memory_space<semaphore_mem>>) src(%dma_wait3A_345 : memref<200x64xf32, #tpu.memory_space<hbm>>) dst(%dma_wait3A_342 : memref<200x64xf32, #tpu.memory_space<vmem>>)
      %add3A_346 = arith.addi %mul3A_2, %add3A_330 : i32
      %dma_start3A_347 = arith.constant 0 : i32
      %dma_start3A_348 = arith.constant 0 : i32
      %dma_start3A_349 = arith.constant 0 : i32
      %dma_start3A_350 = tpu.memref_slice %arg6[%dma_start3A_347, %dma_start3A_348, %dma_start3A_349] : memref<8x200x64xf32, #tpu.memory_space<vmem>> -> memref<1x200x64xf32, #tpu.memory_space<vmem>>
      %dma_start3A_351 = tpu.memref_squeeze %dma_start3A_350 : memref<1x200x64xf32, #tpu.memory_space<vmem>> -> memref<200x64xf32, #tpu.memory_space<vmem>>
      %dma_start3A_352 = arith.constant 0 : i32
      %dma_start3A_353 = arith.constant 0 : i32
      %dma_start3A_354 = tpu.memref_slice %arg4[%add3A_346, %dma_start3A_352, %dma_start3A_353] : memref<4096x200x64xf32, #tpu.memory_space<hbm>> -> memref<1x200x64xf32, #tpu.memory_space<hbm>>
      %dma_start3A_355 = tpu.memref_squeeze %dma_start3A_354 : memref<1x200x64xf32, #tpu.memory_space<hbm>> -> memref<200x64xf32, #tpu.memory_space<hbm>>
      %dma_start3A_356 = arith.constant 0 : i32
      %dma_start3A_357 = arith.constant 0 : i32
      %dma_start3A_358 = tpu.memref_slice %arg4[%add3A_346, %dma_start3A_356, %dma_start3A_357] : memref<4096x200x64xf32, #tpu.memory_space<hbm>> -> memref<1x200x64xf32, #tpu.memory_space<hbm>>
      %dma_start3A_359 = tpu.memref_squeeze %dma_start3A_358 : memref<1x200x64xf32, #tpu.memory_space<hbm>> -> memref<200x64xf32, #tpu.memory_space<hbm>>
      %dma_start3A_360 = arith.constant 0 : i32
      %dma_start3A_361 = arith.constant 0 : i32
      %dma_start3A_362 = tpu.memref_slice %arg6[%dma_start3A_347, %dma_start3A_360, %dma_start3A_361] : memref<8x200x64xf32, #tpu.memory_space<vmem>> -> memref<1x200x64xf32, #tpu.memory_space<vmem>>
      %dma_start3A_363 = tpu.memref_squeeze %dma_start3A_362 : memref<1x200x64xf32, #tpu.memory_space<vmem>> -> memref<200x64xf32, #tpu.memory_space<vmem>>
      tpu.enqueue_dma source(%dma_start3A_363 : memref<200x64xf32, #tpu.memory_space<vmem>>) target(%dma_start3A_359 : memref<200x64xf32, #tpu.memory_space<hbm>>) target_semaphore(%arg8 : memref<!tpu.dma_semaphore, #tpu.memory_space<semaphore_mem>>)
      %lt3A = arith.constant 15 : i32
      %lt3A_364 = arith.cmpi slt, %scan3A_325, %lt3A : i32
      %convert_element_type3A = arith.extui %lt3A_364 : i1 to i32
      %cond3A = arith.constant 0 : i32
      %cond3A_365 = arith.cmpi ne, %convert_element_type3A, %cond3A : i32
      scf.if %cond3A_365 {
        %dma_wait3A_661 = arith.constant 0 : i32
        %dma_wait3A_662 = arith.constant 0 : i32
        %dma_wait3A_663 = arith.constant 0 : i32
        %dma_wait3A_664 = tpu.memref_slice %arg6[%dma_wait3A_661, %dma_wait3A_662, %dma_wait3A_663] : memref<8x200x64xf32, #tpu.memory_space<vmem>> -> memref<1x200x64xf32, #tpu.memory_space<vmem>>
        %dma_wait3A_665 = tpu.memref_squeeze %dma_wait3A_664 : memref<1x200x64xf32, #tpu.memory_space<vmem>> -> memref<200x64xf32, #tpu.memory_space<vmem>>
        %dma_wait3A_666 = arith.constant 0 : i32
        %dma_wait3A_667 = arith.constant 0 : i32
        %dma_wait3A_668 = tpu.memref_slice %arg2[%dma_wait3A_666, %dma_wait3A_667] : memref<1000000x64xf32, #tpu.memory_space<hbm>> -> memref<200x64xf32, #tpu.memory_space<hbm>>
        %dma_wait3A_669 = arith.constant 0 : i32
        %dma_wait3A_670 = arith.constant 0 : i32
        %dma_wait3A_671 = tpu.memref_slice %arg6[%dma_wait3A_661, %dma_wait3A_669, %dma_wait3A_670] : memref<8x200x64xf32, #tpu.memory_space<vmem>> -> memref<1x200x64xf32, #tpu.memory_space<vmem>>
        %dma_wait3A_672 = tpu.memref_squeeze %dma_wait3A_671 : memref<1x200x64xf32, #tpu.memory_space<vmem>> -> memref<200x64xf32, #tpu.memory_space<vmem>>
        %dma_wait3A_673 = arith.constant 0 : i32
        %dma_wait3A_674 = arith.constant 0 : i32
        %dma_wait3A_675 = tpu.memref_slice %arg2[%dma_wait3A_673, %dma_wait3A_674] : memref<1000000x64xf32, #tpu.memory_space<hbm>> -> memref<200x64xf32, #tpu.memory_space<hbm>>
        tpu.wait_dma2 semaphore(%arg8 : memref<!tpu.dma_semaphore, #tpu.memory_space<semaphore_mem>>) src(%dma_wait3A_675 : memref<200x64xf32, #tpu.memory_space<hbm>>) dst(%dma_wait3A_672 : memref<200x64xf32, #tpu.memory_space<vmem>>)
        %add3A_676 = arith.constant 8 : i32
        %add3A_677 = arith.addi %add3A_330, %add3A_676 : i32
        %mul3A_678 = arith.constant 200 : i32
        %mul3A_679 = arith.muli %add3A_677, %mul3A_678 : i32
        %multiple_of3A_680 = tpu.assume_multiple %mul3A_679, 8 : i32
        %add3A_681 = arith.constant 0 : i32
        %add3A_682 = arith.addi %multiple_of3A_680, %add3A_681 : i32
        %dma_start3A_683 = arith.constant 0 : i32
        %dma_start3A_684 = arith.constant 0 : i32
        %dma_start3A_685 = arith.constant 0 : i32
        %dma_start3A_686 = tpu.memref_slice %arg6[%dma_start3A_683, %dma_start3A_684, %dma_start3A_685] : memref<8x200x64xf32, #tpu.memory_space<vmem>> -> memref<1x128x64xf32, #tpu.memory_space<vmem>>
        %dma_start3A_687 = tpu.memref_squeeze %dma_start3A_686 : memref<1x128x64xf32, #tpu.memory_space<vmem>> -> memref<128x64xf32, #tpu.memory_space<vmem>>
        %dma_start3A_688 = tpu.memref_slice %arg5[%add3A_682] : memref<25600xi32, #tpu.memory_space<vmem>> -> memref<128xi32, #tpu.memory_space<vmem>>
        %dma_start3A_689 = arith.constant 0 : i32
        %dma_start3A_690 = arith.constant 0 : i32
        %dma_start3A_691 = tpu.memref_slice %arg2[%dma_start3A_689, %dma_start3A_690] : memref<1000000x64xf32, #tpu.memory_space<hbm>> -> memref<1000000x64xf32, #tpu.memory_space<hbm>>
        tpu.enqueue_indirect_dma source(%dma_start3A_691 : memref<1000000x64xf32, #tpu.memory_space<hbm>>) target(%dma_start3A_687 : memref<128x64xf32, #tpu.memory_space<vmem>>) offsets(%dma_start3A_688 : memref<128xi32, #tpu.memory_space<vmem>>) semaphore(%arg8 : memref<!tpu.dma_semaphore, #tpu.memory_space<semaphore_mem>>)
        %add3A_692 = arith.constant 128 : i32
        %add3A_693 = arith.addi %multiple_of3A_680, %add3A_692 : i32
        %dma_start3A_694 = arith.constant 0 : i32
        %dma_start3A_695 = arith.constant 128 : i32
        %dma_start3A_696 = arith.constant 0 : i32
        %dma_start3A_697 = tpu.memref_slice %arg6[%dma_start3A_694, %dma_start3A_695, %dma_start3A_696] : memref<8x200x64xf32, #tpu.memory_space<vmem>> -> memref<1x72x64xf32, #tpu.memory_space<vmem>>
        %dma_start3A_698 = tpu.memref_squeeze %dma_start3A_697 : memref<1x72x64xf32, #tpu.memory_space<vmem>> -> memref<72x64xf32, #tpu.memory_space<vmem>>
        %dma_start3A_699 = tpu.memref_slice %arg5[%add3A_693] : memref<25600xi32, #tpu.memory_space<vmem>> -> memref<72xi32, #tpu.memory_space<vmem>>
        %dma_start3A_700 = arith.constant 0 : i32
        %dma_start3A_701 = arith.constant 0 : i32
        %dma_start3A_702 = tpu.memref_slice %arg2[%dma_start3A_700, %dma_start3A_701] : memref<1000000x64xf32, #tpu.memory_space<hbm>> -> memref<1000000x64xf32, #tpu.memory_space<hbm>>
        tpu.enqueue_indirect_dma source(%dma_start3A_702 : memref<1000000x64xf32, #tpu.memory_space<hbm>>) target(%dma_start3A_698 : memref<72x64xf32, #tpu.memory_space<vmem>>) offsets(%dma_start3A_699 : memref<72xi32, #tpu.memory_space<vmem>>) semaphore(%arg8 : memref<!tpu.dma_semaphore, #tpu.memory_space<semaphore_mem>>)
      } else {
      }
      %mul3A_366 = arith.constant 8 : i32
      %mul3A_367 = arith.muli %scan3A_325, %mul3A_366 : i32
      %add3A_368 = arith.constant 1 : i32
      %add3A_369 = arith.addi %mul3A_367, %add3A_368 : i32
      %dma_wait3A_370 = arith.constant 1 : i32
      %dma_wait3A_371 = arith.constant 0 : i32
      %dma_wait3A_372 = arith.constant 0 : i32
      %dma_wait3A_373 = tpu.memref_slice %arg6[%dma_wait3A_370, %dma_wait3A_371, %dma_wait3A_372] : memref<8x200x64xf32, #tpu.memory_space<vmem>> -> memref<1x200x64xf32, #tpu.memory_space<vmem>>
      %dma_wait3A_374 = tpu.memref_squeeze %dma_wait3A_373 : memref<1x200x64xf32, #tpu.memory_space<vmem>> -> memref<200x64xf32, #tpu.memory_space<vmem>>
      %dma_wait3A_375 = arith.constant 0 : i32
      %dma_wait3A_376 = arith.constant 0 : i32
      %dma_wait3A_377 = tpu.memref_slice %arg2[%dma_wait3A_375, %dma_wait3A_376] : memref<1000000x64xf32, #tpu.memory_space<hbm>> -> memref<200x64xf32, #tpu.memory_space<hbm>>
      %dma_wait3A_378 = arith.constant 0 : i32
      %dma_wait3A_379 = arith.constant 0 : i32
      %dma_wait3A_380 = tpu.memref_slice %arg6[%dma_wait3A_370, %dma_wait3A_378, %dma_wait3A_379] : memref<8x200x64xf32, #tpu.memory_space<vmem>> -> memref<1x200x64xf32, #tpu.memory_space<vmem>>
      %dma_wait3A_381 = tpu.memref_squeeze %dma_wait3A_380 : memref<1x200x64xf32, #tpu.memory_space<vmem>> -> memref<200x64xf32, #tpu.memory_space<vmem>>
      %dma_wait3A_382 = arith.constant 0 : i32
      %dma_wait3A_383 = arith.constant 0 : i32
      %dma_wait3A_384 = tpu.memref_slice %arg2[%dma_wait3A_382, %dma_wait3A_383] : memref<1000000x64xf32, #tpu.memory_space<hbm>> -> memref<200x64xf32, #tpu.memory_space<hbm>>
      tpu.wait_dma2 semaphore(%arg9 : memref<!tpu.dma_semaphore, #tpu.memory_space<semaphore_mem>>) src(%dma_wait3A_384 : memref<200x64xf32, #tpu.memory_space<hbm>>) dst(%dma_wait3A_381 : memref<200x64xf32, #tpu.memory_space<vmem>>)
      %add3A_385 = arith.addi %mul3A_2, %add3A_369 : i32
      %dma_start3A_386 = arith.constant 1 : i32
      %dma_start3A_387 = arith.constant 0 : i32
      %dma_start3A_388 = arith.constant 0 : i32
      %dma_start3A_389 = tpu.memref_slice %arg6[%dma_start3A_386, %dma_start3A_387, %dma_start3A_388] : memref<8x200x64xf32, #tpu.memory_space<vmem>> -> memref<1x200x64xf32, #tpu.memory_space<vmem>>
      %dma_start3A_390 = tpu.memref_squeeze %dma_start3A_389 : memref<1x200x64xf32, #tpu.memory_space<vmem>> -> memref<200x64xf32, #tpu.memory_space<vmem>>
      %dma_start3A_391 = arith.constant 0 : i32
      %dma_start3A_392 = arith.constant 0 : i32
      %dma_start3A_393 = tpu.memref_slice %arg4[%add3A_385, %dma_start3A_391, %dma_start3A_392] : memref<4096x200x64xf32, #tpu.memory_space<hbm>> -> memref<1x200x64xf32, #tpu.memory_space<hbm>>
      %dma_start3A_394 = tpu.memref_squeeze %dma_start3A_393 : memref<1x200x64xf32, #tpu.memory_space<hbm>> -> memref<200x64xf32, #tpu.memory_space<hbm>>
      %dma_start3A_395 = arith.constant 0 : i32
      %dma_start3A_396 = arith.constant 0 : i32
      %dma_start3A_397 = tpu.memref_slice %arg4[%add3A_385, %dma_start3A_395, %dma_start3A_396] : memref<4096x200x64xf32, #tpu.memory_space<hbm>> -> memref<1x200x64xf32, #tpu.memory_space<hbm>>
      %dma_start3A_398 = tpu.memref_squeeze %dma_start3A_397 : memref<1x200x64xf32, #tpu.memory_space<hbm>> -> memref<200x64xf32, #tpu.memory_space<hbm>>
      %dma_start3A_399 = arith.constant 0 : i32
      %dma_start3A_400 = arith.constant 0 : i32
      %dma_start3A_401 = tpu.memref_slice %arg6[%dma_start3A_386, %dma_start3A_399, %dma_start3A_400] : memref<8x200x64xf32, #tpu.memory_space<vmem>> -> memref<1x200x64xf32, #tpu.memory_space<vmem>>
      %dma_start3A_402 = tpu.memref_squeeze %dma_start3A_401 : memref<1x200x64xf32, #tpu.memory_space<vmem>> -> memref<200x64xf32, #tpu.memory_space<vmem>>
      tpu.enqueue_dma source(%dma_start3A_402 : memref<200x64xf32, #tpu.memory_space<vmem>>) target(%dma_start3A_398 : memref<200x64xf32, #tpu.memory_space<hbm>>) target_semaphore(%arg9 : memref<!tpu.dma_semaphore, #tpu.memory_space<semaphore_mem>>)
      %lt3A_403 = arith.constant 15 : i32
      %lt3A_404 = arith.cmpi slt, %scan3A_325, %lt3A_403 : i32
      %convert_element_type3A_405 = arith.extui %lt3A_404 : i1 to i32
      %cond3A_406 = arith.constant 0 : i32
      %cond3A_407 = arith.cmpi ne, %convert_element_type3A_405, %cond3A_406 : i32
      scf.if %cond3A_407 {
        %dma_wait3A_661 = arith.constant 1 : i32
        %dma_wait3A_662 = arith.constant 0 : i32
        %dma_wait3A_663 = arith.constant 0 : i32
        %dma_wait3A_664 = tpu.memref_slice %arg6[%dma_wait3A_661, %dma_wait3A_662, %dma_wait3A_663] : memref<8x200x64xf32, #tpu.memory_space<vmem>> -> memref<1x200x64xf32, #tpu.memory_space<vmem>>
        %dma_wait3A_665 = tpu.memref_squeeze %dma_wait3A_664 : memref<1x200x64xf32, #tpu.memory_space<vmem>> -> memref<200x64xf32, #tpu.memory_space<vmem>>
        %dma_wait3A_666 = arith.constant 0 : i32
        %dma_wait3A_667 = arith.constant 0 : i32
        %dma_wait3A_668 = tpu.memref_slice %arg2[%dma_wait3A_666, %dma_wait3A_667] : memref<1000000x64xf32, #tpu.memory_space<hbm>> -> memref<200x64xf32, #tpu.memory_space<hbm>>
        %dma_wait3A_669 = arith.constant 0 : i32
        %dma_wait3A_670 = arith.constant 0 : i32
        %dma_wait3A_671 = tpu.memref_slice %arg6[%dma_wait3A_661, %dma_wait3A_669, %dma_wait3A_670] : memref<8x200x64xf32, #tpu.memory_space<vmem>> -> memref<1x200x64xf32, #tpu.memory_space<vmem>>
        %dma_wait3A_672 = tpu.memref_squeeze %dma_wait3A_671 : memref<1x200x64xf32, #tpu.memory_space<vmem>> -> memref<200x64xf32, #tpu.memory_space<vmem>>
        %dma_wait3A_673 = arith.constant 0 : i32
        %dma_wait3A_674 = arith.constant 0 : i32
        %dma_wait3A_675 = tpu.memref_slice %arg2[%dma_wait3A_673, %dma_wait3A_674] : memref<1000000x64xf32, #tpu.memory_space<hbm>> -> memref<200x64xf32, #tpu.memory_space<hbm>>
        tpu.wait_dma2 semaphore(%arg9 : memref<!tpu.dma_semaphore, #tpu.memory_space<semaphore_mem>>) src(%dma_wait3A_675 : memref<200x64xf32, #tpu.memory_space<hbm>>) dst(%dma_wait3A_672 : memref<200x64xf32, #tpu.memory_space<vmem>>)
        %add3A_676 = arith.constant 8 : i32
        %add3A_677 = arith.addi %add3A_369, %add3A_676 : i32
        %mul3A_678 = arith.constant 200 : i32
        %mul3A_679 = arith.muli %add3A_677, %mul3A_678 : i32
        %multiple_of3A_680 = tpu.assume_multiple %mul3A_679, 8 : i32
        %add3A_681 = arith.constant 0 : i32
        %add3A_682 = arith.addi %multiple_of3A_680, %add3A_681 : i32
        %dma_start3A_683 = arith.constant 1 : i32
        %dma_start3A_684 = arith.constant 0 : i32
        %dma_start3A_685 = arith.constant 0 : i32
        %dma_start3A_686 = tpu.memref_slice %arg6[%dma_start3A_683, %dma_start3A_684, %dma_start3A_685] : memref<8x200x64xf32, #tpu.memory_space<vmem>> -> memref<1x128x64xf32, #tpu.memory_space<vmem>>
        %dma_start3A_687 = tpu.memref_squeeze %dma_start3A_686 : memref<1x128x64xf32, #tpu.memory_space<vmem>> -> memref<128x64xf32, #tpu.memory_space<vmem>>
        %dma_start3A_688 = tpu.memref_slice %arg5[%add3A_682] : memref<25600xi32, #tpu.memory_space<vmem>> -> memref<128xi32, #tpu.memory_space<vmem>>
        %dma_start3A_689 = arith.constant 0 : i32
        %dma_start3A_690 = arith.constant 0 : i32
        %dma_start3A_691 = tpu.memref_slice %arg2[%dma_start3A_689, %dma_start3A_690] : memref<1000000x64xf32, #tpu.memory_space<hbm>> -> memref<1000000x64xf32, #tpu.memory_space<hbm>>
        tpu.enqueue_indirect_dma source(%dma_start3A_691 : memref<1000000x64xf32, #tpu.memory_space<hbm>>) target(%dma_start3A_687 : memref<128x64xf32, #tpu.memory_space<vmem>>) offsets(%dma_start3A_688 : memref<128xi32, #tpu.memory_space<vmem>>) semaphore(%arg9 : memref<!tpu.dma_semaphore, #tpu.memory_space<semaphore_mem>>)
        %add3A_692 = arith.constant 128 : i32
        %add3A_693 = arith.addi %multiple_of3A_680, %add3A_692 : i32
        %dma_start3A_694 = arith.constant 1 : i32
        %dma_start3A_695 = arith.constant 128 : i32
        %dma_start3A_696 = arith.constant 0 : i32
        %dma_start3A_697 = tpu.memref_slice %arg6[%dma_start3A_694, %dma_start3A_695, %dma_start3A_696] : memref<8x200x64xf32, #tpu.memory_space<vmem>> -> memref<1x72x64xf32, #tpu.memory_space<vmem>>
        %dma_start3A_698 = tpu.memref_squeeze %dma_start3A_697 : memref<1x72x64xf32, #tpu.memory_space<vmem>> -> memref<72x64xf32, #tpu.memory_space<vmem>>
        %dma_start3A_699 = tpu.memref_slice %arg5[%add3A_693] : memref<25600xi32, #tpu.memory_space<vmem>> -> memref<72xi32, #tpu.memory_space<vmem>>
        %dma_start3A_700 = arith.constant 0 : i32
        %dma_start3A_701 = arith.constant 0 : i32
        %dma_start3A_702 = tpu.memref_slice %arg2[%dma_start3A_700, %dma_start3A_701] : memref<1000000x64xf32, #tpu.memory_space<hbm>> -> memref<1000000x64xf32, #tpu.memory_space<hbm>>
        tpu.enqueue_indirect_dma source(%dma_start3A_702 : memref<1000000x64xf32, #tpu.memory_space<hbm>>) target(%dma_start3A_698 : memref<72x64xf32, #tpu.memory_space<vmem>>) offsets(%dma_start3A_699 : memref<72xi32, #tpu.memory_space<vmem>>) semaphore(%arg9 : memref<!tpu.dma_semaphore, #tpu.memory_space<semaphore_mem>>)
      } else {
      }
      %mul3A_408 = arith.constant 8 : i32
      %mul3A_409 = arith.muli %scan3A_325, %mul3A_408 : i32
      %add3A_410 = arith.constant 2 : i32
      %add3A_411 = arith.addi %mul3A_409, %add3A_410 : i32
      %dma_wait3A_412 = arith.constant 2 : i32
      %dma_wait3A_413 = arith.constant 0 : i32
      %dma_wait3A_414 = arith.constant 0 : i32
      %dma_wait3A_415 = tpu.memref_slice %arg6[%dma_wait3A_412, %dma_wait3A_413, %dma_wait3A_414] : memref<8x200x64xf32, #tpu.memory_space<vmem>> -> memref<1x200x64xf32, #tpu.memory_space<vmem>>
      %dma_wait3A_416 = tpu.memref_squeeze %dma_wait3A_415 : memref<1x200x64xf32, #tpu.memory_space<vmem>> -> memref<200x64xf32, #tpu.memory_space<vmem>>
      %dma_wait3A_417 = arith.constant 0 : i32
      %dma_wait3A_418 = arith.constant 0 : i32
      %dma_wait3A_419 = tpu.memref_slice %arg2[%dma_wait3A_417, %dma_wait3A_418] : memref<1000000x64xf32, #tpu.memory_space<hbm>> -> memref<200x64xf32, #tpu.memory_space<hbm>>
      %dma_wait3A_420 = arith.constant 0 : i32
      %dma_wait3A_421 = arith.constant 0 : i32
      %dma_wait3A_422 = tpu.memref_slice %arg6[%dma_wait3A_412, %dma_wait3A_420, %dma_wait3A_421] : memref<8x200x64xf32, #tpu.memory_space<vmem>> -> memref<1x200x64xf32, #tpu.memory_space<vmem>>
      %dma_wait3A_423 = tpu.memref_squeeze %dma_wait3A_422 : memref<1x200x64xf32, #tpu.memory_space<vmem>> -> memref<200x64xf32, #tpu.memory_space<vmem>>
      %dma_wait3A_424 = arith.constant 0 : i32
      %dma_wait3A_425 = arith.constant 0 : i32
      %dma_wait3A_426 = tpu.memref_slice %arg2[%dma_wait3A_424, %dma_wait3A_425] : memref<1000000x64xf32, #tpu.memory_space<hbm>> -> memref<200x64xf32, #tpu.memory_space<hbm>>
      tpu.wait_dma2 semaphore(%arg10 : memref<!tpu.dma_semaphore, #tpu.memory_space<semaphore_mem>>) src(%dma_wait3A_426 : memref<200x64xf32, #tpu.memory_space<hbm>>) dst(%dma_wait3A_423 : memref<200x64xf32, #tpu.memory_space<vmem>>)
      %add3A_427 = arith.addi %mul3A_2, %add3A_411 : i32
      %dma_start3A_428 = arith.constant 2 : i32
      %dma_start3A_429 = arith.constant 0 : i32
      %dma_start3A_430 = arith.constant 0 : i32
      %dma_start3A_431 = tpu.memref_slice %arg6[%dma_start3A_428, %dma_start3A_429, %dma_start3A_430] : memref<8x200x64xf32, #tpu.memory_space<vmem>> -> memref<1x200x64xf32, #tpu.memory_space<vmem>>
      %dma_start3A_432 = tpu.memref_squeeze %dma_start3A_431 : memref<1x200x64xf32, #tpu.memory_space<vmem>> -> memref<200x64xf32, #tpu.memory_space<vmem>>
      %dma_start3A_433 = arith.constant 0 : i32
      %dma_start3A_434 = arith.constant 0 : i32
      %dma_start3A_435 = tpu.memref_slice %arg4[%add3A_427, %dma_start3A_433, %dma_start3A_434] : memref<4096x200x64xf32, #tpu.memory_space<hbm>> -> memref<1x200x64xf32, #tpu.memory_space<hbm>>
      %dma_start3A_436 = tpu.memref_squeeze %dma_start3A_435 : memref<1x200x64xf32, #tpu.memory_space<hbm>> -> memref<200x64xf32, #tpu.memory_space<hbm>>
      %dma_start3A_437 = arith.constant 0 : i32
      %dma_start3A_438 = arith.constant 0 : i32
      %dma_start3A_439 = tpu.memref_slice %arg4[%add3A_427, %dma_start3A_437, %dma_start3A_438] : memref<4096x200x64xf32, #tpu.memory_space<hbm>> -> memref<1x200x64xf32, #tpu.memory_space<hbm>>
      %dma_start3A_440 = tpu.memref_squeeze %dma_start3A_439 : memref<1x200x64xf32, #tpu.memory_space<hbm>> -> memref<200x64xf32, #tpu.memory_space<hbm>>
      %dma_start3A_441 = arith.constant 0 : i32
      %dma_start3A_442 = arith.constant 0 : i32
      %dma_start3A_443 = tpu.memref_slice %arg6[%dma_start3A_428, %dma_start3A_441, %dma_start3A_442] : memref<8x200x64xf32, #tpu.memory_space<vmem>> -> memref<1x200x64xf32, #tpu.memory_space<vmem>>
      %dma_start3A_444 = tpu.memref_squeeze %dma_start3A_443 : memref<1x200x64xf32, #tpu.memory_space<vmem>> -> memref<200x64xf32, #tpu.memory_space<vmem>>
      tpu.enqueue_dma source(%dma_start3A_444 : memref<200x64xf32, #tpu.memory_space<vmem>>) target(%dma_start3A_440 : memref<200x64xf32, #tpu.memory_space<hbm>>) target_semaphore(%arg10 : memref<!tpu.dma_semaphore, #tpu.memory_space<semaphore_mem>>)
      %lt3A_445 = arith.constant 15 : i32
      %lt3A_446 = arith.cmpi slt, %scan3A_325, %lt3A_445 : i32
      %convert_element_type3A_447 = arith.extui %lt3A_446 : i1 to i32
      %cond3A_448 = arith.constant 0 : i32
      %cond3A_449 = arith.cmpi ne, %convert_element_type3A_447, %cond3A_448 : i32
      scf.if %cond3A_449 {
        %dma_wait3A_661 = arith.constant 2 : i32
        %dma_wait3A_662 = arith.constant 0 : i32
        %dma_wait3A_663 = arith.constant 0 : i32
        %dma_wait3A_664 = tpu.memref_slice %arg6[%dma_wait3A_661, %dma_wait3A_662, %dma_wait3A_663] : memref<8x200x64xf32, #tpu.memory_space<vmem>> -> memref<1x200x64xf32, #tpu.memory_space<vmem>>
        %dma_wait3A_665 = tpu.memref_squeeze %dma_wait3A_664 : memref<1x200x64xf32, #tpu.memory_space<vmem>> -> memref<200x64xf32, #tpu.memory_space<vmem>>
        %dma_wait3A_666 = arith.constant 0 : i32
        %dma_wait3A_667 = arith.constant 0 : i32
        %dma_wait3A_668 = tpu.memref_slice %arg2[%dma_wait3A_666, %dma_wait3A_667] : memref<1000000x64xf32, #tpu.memory_space<hbm>> -> memref<200x64xf32, #tpu.memory_space<hbm>>
        %dma_wait3A_669 = arith.constant 0 : i32
        %dma_wait3A_670 = arith.constant 0 : i32
        %dma_wait3A_671 = tpu.memref_slice %arg6[%dma_wait3A_661, %dma_wait3A_669, %dma_wait3A_670] : memref<8x200x64xf32, #tpu.memory_space<vmem>> -> memref<1x200x64xf32, #tpu.memory_space<vmem>>
        %dma_wait3A_672 = tpu.memref_squeeze %dma_wait3A_671 : memref<1x200x64xf32, #tpu.memory_space<vmem>> -> memref<200x64xf32, #tpu.memory_space<vmem>>
        %dma_wait3A_673 = arith.constant 0 : i32
        %dma_wait3A_674 = arith.constant 0 : i32
        %dma_wait3A_675 = tpu.memref_slice %arg2[%dma_wait3A_673, %dma_wait3A_674] : memref<1000000x64xf32, #tpu.memory_space<hbm>> -> memref<200x64xf32, #tpu.memory_space<hbm>>
        tpu.wait_dma2 semaphore(%arg10 : memref<!tpu.dma_semaphore, #tpu.memory_space<semaphore_mem>>) src(%dma_wait3A_675 : memref<200x64xf32, #tpu.memory_space<hbm>>) dst(%dma_wait3A_672 : memref<200x64xf32, #tpu.memory_space<vmem>>)
        %add3A_676 = arith.constant 8 : i32
        %add3A_677 = arith.addi %add3A_411, %add3A_676 : i32
        %mul3A_678 = arith.constant 200 : i32
        %mul3A_679 = arith.muli %add3A_677, %mul3A_678 : i32
        %multiple_of3A_680 = tpu.assume_multiple %mul3A_679, 8 : i32
        %add3A_681 = arith.constant 0 : i32
        %add3A_682 = arith.addi %multiple_of3A_680, %add3A_681 : i32
        %dma_start3A_683 = arith.constant 2 : i32
        %dma_start3A_684 = arith.constant 0 : i32
        %dma_start3A_685 = arith.constant 0 : i32
        %dma_start3A_686 = tpu.memref_slice %arg6[%dma_start3A_683, %dma_start3A_684, %dma_start3A_685] : memref<8x200x64xf32, #tpu.memory_space<vmem>> -> memref<1x128x64xf32, #tpu.memory_space<vmem>>
        %dma_start3A_687 = tpu.memref_squeeze %dma_start3A_686 : memref<1x128x64xf32, #tpu.memory_space<vmem>> -> memref<128x64xf32, #tpu.memory_space<vmem>>
        %dma_start3A_688 = tpu.memref_slice %arg5[%add3A_682] : memref<25600xi32, #tpu.memory_space<vmem>> -> memref<128xi32, #tpu.memory_space<vmem>>
        %dma_start3A_689 = arith.constant 0 : i32
        %dma_start3A_690 = arith.constant 0 : i32
        %dma_start3A_691 = tpu.memref_slice %arg2[%dma_start3A_689, %dma_start3A_690] : memref<1000000x64xf32, #tpu.memory_space<hbm>> -> memref<1000000x64xf32, #tpu.memory_space<hbm>>
        tpu.enqueue_indirect_dma source(%dma_start3A_691 : memref<1000000x64xf32, #tpu.memory_space<hbm>>) target(%dma_start3A_687 : memref<128x64xf32, #tpu.memory_space<vmem>>) offsets(%dma_start3A_688 : memref<128xi32, #tpu.memory_space<vmem>>) semaphore(%arg10 : memref<!tpu.dma_semaphore, #tpu.memory_space<semaphore_mem>>)
        %add3A_692 = arith.constant 128 : i32
        %add3A_693 = arith.addi %multiple_of3A_680, %add3A_692 : i32
        %dma_start3A_694 = arith.constant 2 : i32
        %dma_start3A_695 = arith.constant 128 : i32
        %dma_start3A_696 = arith.constant 0 : i32
        %dma_start3A_697 = tpu.memref_slice %arg6[%dma_start3A_694, %dma_start3A_695, %dma_start3A_696] : memref<8x200x64xf32, #tpu.memory_space<vmem>> -> memref<1x72x64xf32, #tpu.memory_space<vmem>>
        %dma_start3A_698 = tpu.memref_squeeze %dma_start3A_697 : memref<1x72x64xf32, #tpu.memory_space<vmem>> -> memref<72x64xf32, #tpu.memory_space<vmem>>
        %dma_start3A_699 = tpu.memref_slice %arg5[%add3A_693] : memref<25600xi32, #tpu.memory_space<vmem>> -> memref<72xi32, #tpu.memory_space<vmem>>
        %dma_start3A_700 = arith.constant 0 : i32
        %dma_start3A_701 = arith.constant 0 : i32
        %dma_start3A_702 = tpu.memref_slice %arg2[%dma_start3A_700, %dma_start3A_701] : memref<1000000x64xf32, #tpu.memory_space<hbm>> -> memref<1000000x64xf32, #tpu.memory_space<hbm>>
        tpu.enqueue_indirect_dma source(%dma_start3A_702 : memref<1000000x64xf32, #tpu.memory_space<hbm>>) target(%dma_start3A_698 : memref<72x64xf32, #tpu.memory_space<vmem>>) offsets(%dma_start3A_699 : memref<72xi32, #tpu.memory_space<vmem>>) semaphore(%arg10 : memref<!tpu.dma_semaphore, #tpu.memory_space<semaphore_mem>>)
      } else {
      }
      %mul3A_450 = arith.constant 8 : i32
      %mul3A_451 = arith.muli %scan3A_325, %mul3A_450 : i32
      %add3A_452 = arith.constant 3 : i32
      %add3A_453 = arith.addi %mul3A_451, %add3A_452 : i32
      %dma_wait3A_454 = arith.constant 3 : i32
      %dma_wait3A_455 = arith.constant 0 : i32
      %dma_wait3A_456 = arith.constant 0 : i32
      %dma_wait3A_457 = tpu.memref_slice %arg6[%dma_wait3A_454, %dma_wait3A_455, %dma_wait3A_456] : memref<8x200x64xf32, #tpu.memory_space<vmem>> -> memref<1x200x64xf32, #tpu.memory_space<vmem>>
      %dma_wait3A_458 = tpu.memref_squeeze %dma_wait3A_457 : memref<1x200x64xf32, #tpu.memory_space<vmem>> -> memref<200x64xf32, #tpu.memory_space<vmem>>
      %dma_wait3A_459 = arith.constant 0 : i32
      %dma_wait3A_460 = arith.constant 0 : i32
      %dma_wait3A_461 = tpu.memref_slice %arg2[%dma_wait3A_459, %dma_wait3A_460] : memref<1000000x64xf32, #tpu.memory_space<hbm>> -> memref<200x64xf32, #tpu.memory_space<hbm>>
      %dma_wait3A_462 = arith.constant 0 : i32
      %dma_wait3A_463 = arith.constant 0 : i32
      %dma_wait3A_464 = tpu.memref_slice %arg6[%dma_wait3A_454, %dma_wait3A_462, %dma_wait3A_463] : memref<8x200x64xf32, #tpu.memory_space<vmem>> -> memref<1x200x64xf32, #tpu.memory_space<vmem>>
      %dma_wait3A_465 = tpu.memref_squeeze %dma_wait3A_464 : memref<1x200x64xf32, #tpu.memory_space<vmem>> -> memref<200x64xf32, #tpu.memory_space<vmem>>
      %dma_wait3A_466 = arith.constant 0 : i32
      %dma_wait3A_467 = arith.constant 0 : i32
      %dma_wait3A_468 = tpu.memref_slice %arg2[%dma_wait3A_466, %dma_wait3A_467] : memref<1000000x64xf32, #tpu.memory_space<hbm>> -> memref<200x64xf32, #tpu.memory_space<hbm>>
      tpu.wait_dma2 semaphore(%arg11 : memref<!tpu.dma_semaphore, #tpu.memory_space<semaphore_mem>>) src(%dma_wait3A_468 : memref<200x64xf32, #tpu.memory_space<hbm>>) dst(%dma_wait3A_465 : memref<200x64xf32, #tpu.memory_space<vmem>>)
      %add3A_469 = arith.addi %mul3A_2, %add3A_453 : i32
      %dma_start3A_470 = arith.constant 3 : i32
      %dma_start3A_471 = arith.constant 0 : i32
      %dma_start3A_472 = arith.constant 0 : i32
      %dma_start3A_473 = tpu.memref_slice %arg6[%dma_start3A_470, %dma_start3A_471, %dma_start3A_472] : memref<8x200x64xf32, #tpu.memory_space<vmem>> -> memref<1x200x64xf32, #tpu.memory_space<vmem>>
      %dma_start3A_474 = tpu.memref_squeeze %dma_start3A_473 : memref<1x200x64xf32, #tpu.memory_space<vmem>> -> memref<200x64xf32, #tpu.memory_space<vmem>>
      %dma_start3A_475 = arith.constant 0 : i32
      %dma_start3A_476 = arith.constant 0 : i32
      %dma_start3A_477 = tpu.memref_slice %arg4[%add3A_469, %dma_start3A_475, %dma_start3A_476] : memref<4096x200x64xf32, #tpu.memory_space<hbm>> -> memref<1x200x64xf32, #tpu.memory_space<hbm>>
      %dma_start3A_478 = tpu.memref_squeeze %dma_start3A_477 : memref<1x200x64xf32, #tpu.memory_space<hbm>> -> memref<200x64xf32, #tpu.memory_space<hbm>>
      %dma_start3A_479 = arith.constant 0 : i32
      %dma_start3A_480 = arith.constant 0 : i32
      %dma_start3A_481 = tpu.memref_slice %arg4[%add3A_469, %dma_start3A_479, %dma_start3A_480] : memref<4096x200x64xf32, #tpu.memory_space<hbm>> -> memref<1x200x64xf32, #tpu.memory_space<hbm>>
      %dma_start3A_482 = tpu.memref_squeeze %dma_start3A_481 : memref<1x200x64xf32, #tpu.memory_space<hbm>> -> memref<200x64xf32, #tpu.memory_space<hbm>>
      %dma_start3A_483 = arith.constant 0 : i32
      %dma_start3A_484 = arith.constant 0 : i32
      %dma_start3A_485 = tpu.memref_slice %arg6[%dma_start3A_470, %dma_start3A_483, %dma_start3A_484] : memref<8x200x64xf32, #tpu.memory_space<vmem>> -> memref<1x200x64xf32, #tpu.memory_space<vmem>>
      %dma_start3A_486 = tpu.memref_squeeze %dma_start3A_485 : memref<1x200x64xf32, #tpu.memory_space<vmem>> -> memref<200x64xf32, #tpu.memory_space<vmem>>
      tpu.enqueue_dma source(%dma_start3A_486 : memref<200x64xf32, #tpu.memory_space<vmem>>) target(%dma_start3A_482 : memref<200x64xf32, #tpu.memory_space<hbm>>) target_semaphore(%arg11 : memref<!tpu.dma_semaphore, #tpu.memory_space<semaphore_mem>>)
      %lt3A_487 = arith.constant 15 : i32
      %lt3A_488 = arith.cmpi slt, %scan3A_325, %lt3A_487 : i32
      %convert_element_type3A_489 = arith.extui %lt3A_488 : i1 to i32
      %cond3A_490 = arith.constant 0 : i32
      %cond3A_491 = arith.cmpi ne, %convert_element_type3A_489, %cond3A_490 : i32
      scf.if %cond3A_491 {
        %dma_wait3A_661 = arith.constant 3 : i32
        %dma_wait3A_662 = arith.constant 0 : i32
        %dma_wait3A_663 = arith.constant 0 : i32
        %dma_wait3A_664 = tpu.memref_slice %arg6[%dma_wait3A_661, %dma_wait3A_662, %dma_wait3A_663] : memref<8x200x64xf32, #tpu.memory_space<vmem>> -> memref<1x200x64xf32, #tpu.memory_space<vmem>>
        %dma_wait3A_665 = tpu.memref_squeeze %dma_wait3A_664 : memref<1x200x64xf32, #tpu.memory_space<vmem>> -> memref<200x64xf32, #tpu.memory_space<vmem>>
        %dma_wait3A_666 = arith.constant 0 : i32
        %dma_wait3A_667 = arith.constant 0 : i32
        %dma_wait3A_668 = tpu.memref_slice %arg2[%dma_wait3A_666, %dma_wait3A_667] : memref<1000000x64xf32, #tpu.memory_space<hbm>> -> memref<200x64xf32, #tpu.memory_space<hbm>>
        %dma_wait3A_669 = arith.constant 0 : i32
        %dma_wait3A_670 = arith.constant 0 : i32
        %dma_wait3A_671 = tpu.memref_slice %arg6[%dma_wait3A_661, %dma_wait3A_669, %dma_wait3A_670] : memref<8x200x64xf32, #tpu.memory_space<vmem>> -> memref<1x200x64xf32, #tpu.memory_space<vmem>>
        %dma_wait3A_672 = tpu.memref_squeeze %dma_wait3A_671 : memref<1x200x64xf32, #tpu.memory_space<vmem>> -> memref<200x64xf32, #tpu.memory_space<vmem>>
        %dma_wait3A_673 = arith.constant 0 : i32
        %dma_wait3A_674 = arith.constant 0 : i32
        %dma_wait3A_675 = tpu.memref_slice %arg2[%dma_wait3A_673, %dma_wait3A_674] : memref<1000000x64xf32, #tpu.memory_space<hbm>> -> memref<200x64xf32, #tpu.memory_space<hbm>>
        tpu.wait_dma2 semaphore(%arg11 : memref<!tpu.dma_semaphore, #tpu.memory_space<semaphore_mem>>) src(%dma_wait3A_675 : memref<200x64xf32, #tpu.memory_space<hbm>>) dst(%dma_wait3A_672 : memref<200x64xf32, #tpu.memory_space<vmem>>)
        %add3A_676 = arith.constant 8 : i32
        %add3A_677 = arith.addi %add3A_453, %add3A_676 : i32
        %mul3A_678 = arith.constant 200 : i32
        %mul3A_679 = arith.muli %add3A_677, %mul3A_678 : i32
        %multiple_of3A_680 = tpu.assume_multiple %mul3A_679, 8 : i32
        %add3A_681 = arith.constant 0 : i32
        %add3A_682 = arith.addi %multiple_of3A_680, %add3A_681 : i32
        %dma_start3A_683 = arith.constant 3 : i32
        %dma_start3A_684 = arith.constant 0 : i32
        %dma_start3A_685 = arith.constant 0 : i32
        %dma_start3A_686 = tpu.memref_slice %arg6[%dma_start3A_683, %dma_start3A_684, %dma_start3A_685] : memref<8x200x64xf32, #tpu.memory_space<vmem>> -> memref<1x128x64xf32, #tpu.memory_space<vmem>>
        %dma_start3A_687 = tpu.memref_squeeze %dma_start3A_686 : memref<1x128x64xf32, #tpu.memory_space<vmem>> -> memref<128x64xf32, #tpu.memory_space<vmem>>
        %dma_start3A_688 = tpu.memref_slice %arg5[%add3A_682] : memref<25600xi32, #tpu.memory_space<vmem>> -> memref<128xi32, #tpu.memory_space<vmem>>
        %dma_start3A_689 = arith.constant 0 : i32
        %dma_start3A_690 = arith.constant 0 : i32
        %dma_start3A_691 = tpu.memref_slice %arg2[%dma_start3A_689, %dma_start3A_690] : memref<1000000x64xf32, #tpu.memory_space<hbm>> -> memref<1000000x64xf32, #tpu.memory_space<hbm>>
        tpu.enqueue_indirect_dma source(%dma_start3A_691 : memref<1000000x64xf32, #tpu.memory_space<hbm>>) target(%dma_start3A_687 : memref<128x64xf32, #tpu.memory_space<vmem>>) offsets(%dma_start3A_688 : memref<128xi32, #tpu.memory_space<vmem>>) semaphore(%arg11 : memref<!tpu.dma_semaphore, #tpu.memory_space<semaphore_mem>>)
        %add3A_692 = arith.constant 128 : i32
        %add3A_693 = arith.addi %multiple_of3A_680, %add3A_692 : i32
        %dma_start3A_694 = arith.constant 3 : i32
        %dma_start3A_695 = arith.constant 128 : i32
        %dma_start3A_696 = arith.constant 0 : i32
        %dma_start3A_697 = tpu.memref_slice %arg6[%dma_start3A_694, %dma_start3A_695, %dma_start3A_696] : memref<8x200x64xf32, #tpu.memory_space<vmem>> -> memref<1x72x64xf32, #tpu.memory_space<vmem>>
        %dma_start3A_698 = tpu.memref_squeeze %dma_start3A_697 : memref<1x72x64xf32, #tpu.memory_space<vmem>> -> memref<72x64xf32, #tpu.memory_space<vmem>>
        %dma_start3A_699 = tpu.memref_slice %arg5[%add3A_693] : memref<25600xi32, #tpu.memory_space<vmem>> -> memref<72xi32, #tpu.memory_space<vmem>>
        %dma_start3A_700 = arith.constant 0 : i32
        %dma_start3A_701 = arith.constant 0 : i32
        %dma_start3A_702 = tpu.memref_slice %arg2[%dma_start3A_700, %dma_start3A_701] : memref<1000000x64xf32, #tpu.memory_space<hbm>> -> memref<1000000x64xf32, #tpu.memory_space<hbm>>
        tpu.enqueue_indirect_dma source(%dma_start3A_702 : memref<1000000x64xf32, #tpu.memory_space<hbm>>) target(%dma_start3A_698 : memref<72x64xf32, #tpu.memory_space<vmem>>) offsets(%dma_start3A_699 : memref<72xi32, #tpu.memory_space<vmem>>) semaphore(%arg11 : memref<!tpu.dma_semaphore, #tpu.memory_space<semaphore_mem>>)
      } else {
      }
      %mul3A_492 = arith.constant 8 : i32
      %mul3A_493 = arith.muli %scan3A_325, %mul3A_492 : i32
      %add3A_494 = arith.constant 4 : i32
      %add3A_495 = arith.addi %mul3A_493, %add3A_494 : i32
      %dma_wait3A_496 = arith.constant 4 : i32
      %dma_wait3A_497 = arith.constant 0 : i32
      %dma_wait3A_498 = arith.constant 0 : i32
      %dma_wait3A_499 = tpu.memref_slice %arg6[%dma_wait3A_496, %dma_wait3A_497, %dma_wait3A_498] : memref<8x200x64xf32, #tpu.memory_space<vmem>> -> memref<1x200x64xf32, #tpu.memory_space<vmem>>
      %dma_wait3A_500 = tpu.memref_squeeze %dma_wait3A_499 : memref<1x200x64xf32, #tpu.memory_space<vmem>> -> memref<200x64xf32, #tpu.memory_space<vmem>>
      %dma_wait3A_501 = arith.constant 0 : i32
      %dma_wait3A_502 = arith.constant 0 : i32
      %dma_wait3A_503 = tpu.memref_slice %arg2[%dma_wait3A_501, %dma_wait3A_502] : memref<1000000x64xf32, #tpu.memory_space<hbm>> -> memref<200x64xf32, #tpu.memory_space<hbm>>
      %dma_wait3A_504 = arith.constant 0 : i32
      %dma_wait3A_505 = arith.constant 0 : i32
      %dma_wait3A_506 = tpu.memref_slice %arg6[%dma_wait3A_496, %dma_wait3A_504, %dma_wait3A_505] : memref<8x200x64xf32, #tpu.memory_space<vmem>> -> memref<1x200x64xf32, #tpu.memory_space<vmem>>
      %dma_wait3A_507 = tpu.memref_squeeze %dma_wait3A_506 : memref<1x200x64xf32, #tpu.memory_space<vmem>> -> memref<200x64xf32, #tpu.memory_space<vmem>>
      %dma_wait3A_508 = arith.constant 0 : i32
      %dma_wait3A_509 = arith.constant 0 : i32
      %dma_wait3A_510 = tpu.memref_slice %arg2[%dma_wait3A_508, %dma_wait3A_509] : memref<1000000x64xf32, #tpu.memory_space<hbm>> -> memref<200x64xf32, #tpu.memory_space<hbm>>
      tpu.wait_dma2 semaphore(%arg12 : memref<!tpu.dma_semaphore, #tpu.memory_space<semaphore_mem>>) src(%dma_wait3A_510 : memref<200x64xf32, #tpu.memory_space<hbm>>) dst(%dma_wait3A_507 : memref<200x64xf32, #tpu.memory_space<vmem>>)
      %add3A_511 = arith.addi %mul3A_2, %add3A_495 : i32
      %dma_start3A_512 = arith.constant 4 : i32
      %dma_start3A_513 = arith.constant 0 : i32
      %dma_start3A_514 = arith.constant 0 : i32
      %dma_start3A_515 = tpu.memref_slice %arg6[%dma_start3A_512, %dma_start3A_513, %dma_start3A_514] : memref<8x200x64xf32, #tpu.memory_space<vmem>> -> memref<1x200x64xf32, #tpu.memory_space<vmem>>
      %dma_start3A_516 = tpu.memref_squeeze %dma_start3A_515 : memref<1x200x64xf32, #tpu.memory_space<vmem>> -> memref<200x64xf32, #tpu.memory_space<vmem>>
      %dma_start3A_517 = arith.constant 0 : i32
      %dma_start3A_518 = arith.constant 0 : i32
      %dma_start3A_519 = tpu.memref_slice %arg4[%add3A_511, %dma_start3A_517, %dma_start3A_518] : memref<4096x200x64xf32, #tpu.memory_space<hbm>> -> memref<1x200x64xf32, #tpu.memory_space<hbm>>
      %dma_start3A_520 = tpu.memref_squeeze %dma_start3A_519 : memref<1x200x64xf32, #tpu.memory_space<hbm>> -> memref<200x64xf32, #tpu.memory_space<hbm>>
      %dma_start3A_521 = arith.constant 0 : i32
      %dma_start3A_522 = arith.constant 0 : i32
      %dma_start3A_523 = tpu.memref_slice %arg4[%add3A_511, %dma_start3A_521, %dma_start3A_522] : memref<4096x200x64xf32, #tpu.memory_space<hbm>> -> memref<1x200x64xf32, #tpu.memory_space<hbm>>
      %dma_start3A_524 = tpu.memref_squeeze %dma_start3A_523 : memref<1x200x64xf32, #tpu.memory_space<hbm>> -> memref<200x64xf32, #tpu.memory_space<hbm>>
      %dma_start3A_525 = arith.constant 0 : i32
      %dma_start3A_526 = arith.constant 0 : i32
      %dma_start3A_527 = tpu.memref_slice %arg6[%dma_start3A_512, %dma_start3A_525, %dma_start3A_526] : memref<8x200x64xf32, #tpu.memory_space<vmem>> -> memref<1x200x64xf32, #tpu.memory_space<vmem>>
      %dma_start3A_528 = tpu.memref_squeeze %dma_start3A_527 : memref<1x200x64xf32, #tpu.memory_space<vmem>> -> memref<200x64xf32, #tpu.memory_space<vmem>>
      tpu.enqueue_dma source(%dma_start3A_528 : memref<200x64xf32, #tpu.memory_space<vmem>>) target(%dma_start3A_524 : memref<200x64xf32, #tpu.memory_space<hbm>>) target_semaphore(%arg12 : memref<!tpu.dma_semaphore, #tpu.memory_space<semaphore_mem>>)
      %lt3A_529 = arith.constant 15 : i32
      %lt3A_530 = arith.cmpi slt, %scan3A_325, %lt3A_529 : i32
      %convert_element_type3A_531 = arith.extui %lt3A_530 : i1 to i32
      %cond3A_532 = arith.constant 0 : i32
      %cond3A_533 = arith.cmpi ne, %convert_element_type3A_531, %cond3A_532 : i32
      scf.if %cond3A_533 {
        %dma_wait3A_661 = arith.constant 4 : i32
        %dma_wait3A_662 = arith.constant 0 : i32
        %dma_wait3A_663 = arith.constant 0 : i32
        %dma_wait3A_664 = tpu.memref_slice %arg6[%dma_wait3A_661, %dma_wait3A_662, %dma_wait3A_663] : memref<8x200x64xf32, #tpu.memory_space<vmem>> -> memref<1x200x64xf32, #tpu.memory_space<vmem>>
        %dma_wait3A_665 = tpu.memref_squeeze %dma_wait3A_664 : memref<1x200x64xf32, #tpu.memory_space<vmem>> -> memref<200x64xf32, #tpu.memory_space<vmem>>
        %dma_wait3A_666 = arith.constant 0 : i32
        %dma_wait3A_667 = arith.constant 0 : i32
        %dma_wait3A_668 = tpu.memref_slice %arg2[%dma_wait3A_666, %dma_wait3A_667] : memref<1000000x64xf32, #tpu.memory_space<hbm>> -> memref<200x64xf32, #tpu.memory_space<hbm>>
        %dma_wait3A_669 = arith.constant 0 : i32
        %dma_wait3A_670 = arith.constant 0 : i32
        %dma_wait3A_671 = tpu.memref_slice %arg6[%dma_wait3A_661, %dma_wait3A_669, %dma_wait3A_670] : memref<8x200x64xf32, #tpu.memory_space<vmem>> -> memref<1x200x64xf32, #tpu.memory_space<vmem>>
        %dma_wait3A_672 = tpu.memref_squeeze %dma_wait3A_671 : memref<1x200x64xf32, #tpu.memory_space<vmem>> -> memref<200x64xf32, #tpu.memory_space<vmem>>
        %dma_wait3A_673 = arith.constant 0 : i32
        %dma_wait3A_674 = arith.constant 0 : i32
        %dma_wait3A_675 = tpu.memref_slice %arg2[%dma_wait3A_673, %dma_wait3A_674] : memref<1000000x64xf32, #tpu.memory_space<hbm>> -> memref<200x64xf32, #tpu.memory_space<hbm>>
        tpu.wait_dma2 semaphore(%arg12 : memref<!tpu.dma_semaphore, #tpu.memory_space<semaphore_mem>>) src(%dma_wait3A_675 : memref<200x64xf32, #tpu.memory_space<hbm>>) dst(%dma_wait3A_672 : memref<200x64xf32, #tpu.memory_space<vmem>>)
        %add3A_676 = arith.constant 8 : i32
        %add3A_677 = arith.addi %add3A_495, %add3A_676 : i32
        %mul3A_678 = arith.constant 200 : i32
        %mul3A_679 = arith.muli %add3A_677, %mul3A_678 : i32
        %multiple_of3A_680 = tpu.assume_multiple %mul3A_679, 8 : i32
        %add3A_681 = arith.constant 0 : i32
        %add3A_682 = arith.addi %multiple_of3A_680, %add3A_681 : i32
        %dma_start3A_683 = arith.constant 4 : i32
        %dma_start3A_684 = arith.constant 0 : i32
        %dma_start3A_685 = arith.constant 0 : i32
        %dma_start3A_686 = tpu.memref_slice %arg6[%dma_start3A_683, %dma_start3A_684, %dma_start3A_685] : memref<8x200x64xf32, #tpu.memory_space<vmem>> -> memref<1x128x64xf32, #tpu.memory_space<vmem>>
        %dma_start3A_687 = tpu.memref_squeeze %dma_start3A_686 : memref<1x128x64xf32, #tpu.memory_space<vmem>> -> memref<128x64xf32, #tpu.memory_space<vmem>>
        %dma_start3A_688 = tpu.memref_slice %arg5[%add3A_682] : memref<25600xi32, #tpu.memory_space<vmem>> -> memref<128xi32, #tpu.memory_space<vmem>>
        %dma_start3A_689 = arith.constant 0 : i32
        %dma_start3A_690 = arith.constant 0 : i32
        %dma_start3A_691 = tpu.memref_slice %arg2[%dma_start3A_689, %dma_start3A_690] : memref<1000000x64xf32, #tpu.memory_space<hbm>> -> memref<1000000x64xf32, #tpu.memory_space<hbm>>
        tpu.enqueue_indirect_dma source(%dma_start3A_691 : memref<1000000x64xf32, #tpu.memory_space<hbm>>) target(%dma_start3A_687 : memref<128x64xf32, #tpu.memory_space<vmem>>) offsets(%dma_start3A_688 : memref<128xi32, #tpu.memory_space<vmem>>) semaphore(%arg12 : memref<!tpu.dma_semaphore, #tpu.memory_space<semaphore_mem>>)
        %add3A_692 = arith.constant 128 : i32
        %add3A_693 = arith.addi %multiple_of3A_680, %add3A_692 : i32
        %dma_start3A_694 = arith.constant 4 : i32
        %dma_start3A_695 = arith.constant 128 : i32
        %dma_start3A_696 = arith.constant 0 : i32
        %dma_start3A_697 = tpu.memref_slice %arg6[%dma_start3A_694, %dma_start3A_695, %dma_start3A_696] : memref<8x200x64xf32, #tpu.memory_space<vmem>> -> memref<1x72x64xf32, #tpu.memory_space<vmem>>
        %dma_start3A_698 = tpu.memref_squeeze %dma_start3A_697 : memref<1x72x64xf32, #tpu.memory_space<vmem>> -> memref<72x64xf32, #tpu.memory_space<vmem>>
        %dma_start3A_699 = tpu.memref_slice %arg5[%add3A_693] : memref<25600xi32, #tpu.memory_space<vmem>> -> memref<72xi32, #tpu.memory_space<vmem>>
        %dma_start3A_700 = arith.constant 0 : i32
        %dma_start3A_701 = arith.constant 0 : i32
        %dma_start3A_702 = tpu.memref_slice %arg2[%dma_start3A_700, %dma_start3A_701] : memref<1000000x64xf32, #tpu.memory_space<hbm>> -> memref<1000000x64xf32, #tpu.memory_space<hbm>>
        tpu.enqueue_indirect_dma source(%dma_start3A_702 : memref<1000000x64xf32, #tpu.memory_space<hbm>>) target(%dma_start3A_698 : memref<72x64xf32, #tpu.memory_space<vmem>>) offsets(%dma_start3A_699 : memref<72xi32, #tpu.memory_space<vmem>>) semaphore(%arg12 : memref<!tpu.dma_semaphore, #tpu.memory_space<semaphore_mem>>)
      } else {
      }
      %mul3A_534 = arith.constant 8 : i32
      %mul3A_535 = arith.muli %scan3A_325, %mul3A_534 : i32
      %add3A_536 = arith.constant 5 : i32
      %add3A_537 = arith.addi %mul3A_535, %add3A_536 : i32
      %dma_wait3A_538 = arith.constant 5 : i32
      %dma_wait3A_539 = arith.constant 0 : i32
      %dma_wait3A_540 = arith.constant 0 : i32
      %dma_wait3A_541 = tpu.memref_slice %arg6[%dma_wait3A_538, %dma_wait3A_539, %dma_wait3A_540] : memref<8x200x64xf32, #tpu.memory_space<vmem>> -> memref<1x200x64xf32, #tpu.memory_space<vmem>>
      %dma_wait3A_542 = tpu.memref_squeeze %dma_wait3A_541 : memref<1x200x64xf32, #tpu.memory_space<vmem>> -> memref<200x64xf32, #tpu.memory_space<vmem>>
      %dma_wait3A_543 = arith.constant 0 : i32
      %dma_wait3A_544 = arith.constant 0 : i32
      %dma_wait3A_545 = tpu.memref_slice %arg2[%dma_wait3A_543, %dma_wait3A_544] : memref<1000000x64xf32, #tpu.memory_space<hbm>> -> memref<200x64xf32, #tpu.memory_space<hbm>>
      %dma_wait3A_546 = arith.constant 0 : i32
      %dma_wait3A_547 = arith.constant 0 : i32
      %dma_wait3A_548 = tpu.memref_slice %arg6[%dma_wait3A_538, %dma_wait3A_546, %dma_wait3A_547] : memref<8x200x64xf32, #tpu.memory_space<vmem>> -> memref<1x200x64xf32, #tpu.memory_space<vmem>>
      %dma_wait3A_549 = tpu.memref_squeeze %dma_wait3A_548 : memref<1x200x64xf32, #tpu.memory_space<vmem>> -> memref<200x64xf32, #tpu.memory_space<vmem>>
      %dma_wait3A_550 = arith.constant 0 : i32
      %dma_wait3A_551 = arith.constant 0 : i32
      %dma_wait3A_552 = tpu.memref_slice %arg2[%dma_wait3A_550, %dma_wait3A_551] : memref<1000000x64xf32, #tpu.memory_space<hbm>> -> memref<200x64xf32, #tpu.memory_space<hbm>>
      tpu.wait_dma2 semaphore(%arg13 : memref<!tpu.dma_semaphore, #tpu.memory_space<semaphore_mem>>) src(%dma_wait3A_552 : memref<200x64xf32, #tpu.memory_space<hbm>>) dst(%dma_wait3A_549 : memref<200x64xf32, #tpu.memory_space<vmem>>)
      %add3A_553 = arith.addi %mul3A_2, %add3A_537 : i32
      %dma_start3A_554 = arith.constant 5 : i32
      %dma_start3A_555 = arith.constant 0 : i32
      %dma_start3A_556 = arith.constant 0 : i32
      %dma_start3A_557 = tpu.memref_slice %arg6[%dma_start3A_554, %dma_start3A_555, %dma_start3A_556] : memref<8x200x64xf32, #tpu.memory_space<vmem>> -> memref<1x200x64xf32, #tpu.memory_space<vmem>>
      %dma_start3A_558 = tpu.memref_squeeze %dma_start3A_557 : memref<1x200x64xf32, #tpu.memory_space<vmem>> -> memref<200x64xf32, #tpu.memory_space<vmem>>
      %dma_start3A_559 = arith.constant 0 : i32
      %dma_start3A_560 = arith.constant 0 : i32
      %dma_start3A_561 = tpu.memref_slice %arg4[%add3A_553, %dma_start3A_559, %dma_start3A_560] : memref<4096x200x64xf32, #tpu.memory_space<hbm>> -> memref<1x200x64xf32, #tpu.memory_space<hbm>>
      %dma_start3A_562 = tpu.memref_squeeze %dma_start3A_561 : memref<1x200x64xf32, #tpu.memory_space<hbm>> -> memref<200x64xf32, #tpu.memory_space<hbm>>
      %dma_start3A_563 = arith.constant 0 : i32
      %dma_start3A_564 = arith.constant 0 : i32
      %dma_start3A_565 = tpu.memref_slice %arg4[%add3A_553, %dma_start3A_563, %dma_start3A_564] : memref<4096x200x64xf32, #tpu.memory_space<hbm>> -> memref<1x200x64xf32, #tpu.memory_space<hbm>>
      %dma_start3A_566 = tpu.memref_squeeze %dma_start3A_565 : memref<1x200x64xf32, #tpu.memory_space<hbm>> -> memref<200x64xf32, #tpu.memory_space<hbm>>
      %dma_start3A_567 = arith.constant 0 : i32
      %dma_start3A_568 = arith.constant 0 : i32
      %dma_start3A_569 = tpu.memref_slice %arg6[%dma_start3A_554, %dma_start3A_567, %dma_start3A_568] : memref<8x200x64xf32, #tpu.memory_space<vmem>> -> memref<1x200x64xf32, #tpu.memory_space<vmem>>
      %dma_start3A_570 = tpu.memref_squeeze %dma_start3A_569 : memref<1x200x64xf32, #tpu.memory_space<vmem>> -> memref<200x64xf32, #tpu.memory_space<vmem>>
      tpu.enqueue_dma source(%dma_start3A_570 : memref<200x64xf32, #tpu.memory_space<vmem>>) target(%dma_start3A_566 : memref<200x64xf32, #tpu.memory_space<hbm>>) target_semaphore(%arg13 : memref<!tpu.dma_semaphore, #tpu.memory_space<semaphore_mem>>)
      %lt3A_571 = arith.constant 15 : i32
      %lt3A_572 = arith.cmpi slt, %scan3A_325, %lt3A_571 : i32
      %convert_element_type3A_573 = arith.extui %lt3A_572 : i1 to i32
      %cond3A_574 = arith.constant 0 : i32
      %cond3A_575 = arith.cmpi ne, %convert_element_type3A_573, %cond3A_574 : i32
      scf.if %cond3A_575 {
        %dma_wait3A_661 = arith.constant 5 : i32
        %dma_wait3A_662 = arith.constant 0 : i32
        %dma_wait3A_663 = arith.constant 0 : i32
        %dma_wait3A_664 = tpu.memref_slice %arg6[%dma_wait3A_661, %dma_wait3A_662, %dma_wait3A_663] : memref<8x200x64xf32, #tpu.memory_space<vmem>> -> memref<1x200x64xf32, #tpu.memory_space<vmem>>
        %dma_wait3A_665 = tpu.memref_squeeze %dma_wait3A_664 : memref<1x200x64xf32, #tpu.memory_space<vmem>> -> memref<200x64xf32, #tpu.memory_space<vmem>>
        %dma_wait3A_666 = arith.constant 0 : i32
        %dma_wait3A_667 = arith.constant 0 : i32
        %dma_wait3A_668 = tpu.memref_slice %arg2[%dma_wait3A_666, %dma_wait3A_667] : memref<1000000x64xf32, #tpu.memory_space<hbm>> -> memref<200x64xf32, #tpu.memory_space<hbm>>
        %dma_wait3A_669 = arith.constant 0 : i32
        %dma_wait3A_670 = arith.constant 0 : i32
        %dma_wait3A_671 = tpu.memref_slice %arg6[%dma_wait3A_661, %dma_wait3A_669, %dma_wait3A_670] : memref<8x200x64xf32, #tpu.memory_space<vmem>> -> memref<1x200x64xf32, #tpu.memory_space<vmem>>
        %dma_wait3A_672 = tpu.memref_squeeze %dma_wait3A_671 : memref<1x200x64xf32, #tpu.memory_space<vmem>> -> memref<200x64xf32, #tpu.memory_space<vmem>>
        %dma_wait3A_673 = arith.constant 0 : i32
        %dma_wait3A_674 = arith.constant 0 : i32
        %dma_wait3A_675 = tpu.memref_slice %arg2[%dma_wait3A_673, %dma_wait3A_674] : memref<1000000x64xf32, #tpu.memory_space<hbm>> -> memref<200x64xf32, #tpu.memory_space<hbm>>
        tpu.wait_dma2 semaphore(%arg13 : memref<!tpu.dma_semaphore, #tpu.memory_space<semaphore_mem>>) src(%dma_wait3A_675 : memref<200x64xf32, #tpu.memory_space<hbm>>) dst(%dma_wait3A_672 : memref<200x64xf32, #tpu.memory_space<vmem>>)
        %add3A_676 = arith.constant 8 : i32
        %add3A_677 = arith.addi %add3A_537, %add3A_676 : i32
        %mul3A_678 = arith.constant 200 : i32
        %mul3A_679 = arith.muli %add3A_677, %mul3A_678 : i32
        %multiple_of3A_680 = tpu.assume_multiple %mul3A_679, 8 : i32
        %add3A_681 = arith.constant 0 : i32
        %add3A_682 = arith.addi %multiple_of3A_680, %add3A_681 : i32
        %dma_start3A_683 = arith.constant 5 : i32
        %dma_start3A_684 = arith.constant 0 : i32
        %dma_start3A_685 = arith.constant 0 : i32
        %dma_start3A_686 = tpu.memref_slice %arg6[%dma_start3A_683, %dma_start3A_684, %dma_start3A_685] : memref<8x200x64xf32, #tpu.memory_space<vmem>> -> memref<1x128x64xf32, #tpu.memory_space<vmem>>
        %dma_start3A_687 = tpu.memref_squeeze %dma_start3A_686 : memref<1x128x64xf32, #tpu.memory_space<vmem>> -> memref<128x64xf32, #tpu.memory_space<vmem>>
        %dma_start3A_688 = tpu.memref_slice %arg5[%add3A_682] : memref<25600xi32, #tpu.memory_space<vmem>> -> memref<128xi32, #tpu.memory_space<vmem>>
        %dma_start3A_689 = arith.constant 0 : i32
        %dma_start3A_690 = arith.constant 0 : i32
        %dma_start3A_691 = tpu.memref_slice %arg2[%dma_start3A_689, %dma_start3A_690] : memref<1000000x64xf32, #tpu.memory_space<hbm>> -> memref<1000000x64xf32, #tpu.memory_space<hbm>>
        tpu.enqueue_indirect_dma source(%dma_start3A_691 : memref<1000000x64xf32, #tpu.memory_space<hbm>>) target(%dma_start3A_687 : memref<128x64xf32, #tpu.memory_space<vmem>>) offsets(%dma_start3A_688 : memref<128xi32, #tpu.memory_space<vmem>>) semaphore(%arg13 : memref<!tpu.dma_semaphore, #tpu.memory_space<semaphore_mem>>)
        %add3A_692 = arith.constant 128 : i32
        %add3A_693 = arith.addi %multiple_of3A_680, %add3A_692 : i32
        %dma_start3A_694 = arith.constant 5 : i32
        %dma_start3A_695 = arith.constant 128 : i32
        %dma_start3A_696 = arith.constant 0 : i32
        %dma_start3A_697 = tpu.memref_slice %arg6[%dma_start3A_694, %dma_start3A_695, %dma_start3A_696] : memref<8x200x64xf32, #tpu.memory_space<vmem>> -> memref<1x72x64xf32, #tpu.memory_space<vmem>>
        %dma_start3A_698 = tpu.memref_squeeze %dma_start3A_697 : memref<1x72x64xf32, #tpu.memory_space<vmem>> -> memref<72x64xf32, #tpu.memory_space<vmem>>
        %dma_start3A_699 = tpu.memref_slice %arg5[%add3A_693] : memref<25600xi32, #tpu.memory_space<vmem>> -> memref<72xi32, #tpu.memory_space<vmem>>
        %dma_start3A_700 = arith.constant 0 : i32
        %dma_start3A_701 = arith.constant 0 : i32
        %dma_start3A_702 = tpu.memref_slice %arg2[%dma_start3A_700, %dma_start3A_701] : memref<1000000x64xf32, #tpu.memory_space<hbm>> -> memref<1000000x64xf32, #tpu.memory_space<hbm>>
        tpu.enqueue_indirect_dma source(%dma_start3A_702 : memref<1000000x64xf32, #tpu.memory_space<hbm>>) target(%dma_start3A_698 : memref<72x64xf32, #tpu.memory_space<vmem>>) offsets(%dma_start3A_699 : memref<72xi32, #tpu.memory_space<vmem>>) semaphore(%arg13 : memref<!tpu.dma_semaphore, #tpu.memory_space<semaphore_mem>>)
      } else {
      }
      %mul3A_576 = arith.constant 8 : i32
      %mul3A_577 = arith.muli %scan3A_325, %mul3A_576 : i32
      %add3A_578 = arith.constant 6 : i32
      %add3A_579 = arith.addi %mul3A_577, %add3A_578 : i32
      %dma_wait3A_580 = arith.constant 6 : i32
      %dma_wait3A_581 = arith.constant 0 : i32
      %dma_wait3A_582 = arith.constant 0 : i32
      %dma_wait3A_583 = tpu.memref_slice %arg6[%dma_wait3A_580, %dma_wait3A_581, %dma_wait3A_582] : memref<8x200x64xf32, #tpu.memory_space<vmem>> -> memref<1x200x64xf32, #tpu.memory_space<vmem>>
      %dma_wait3A_584 = tpu.memref_squeeze %dma_wait3A_583 : memref<1x200x64xf32, #tpu.memory_space<vmem>> -> memref<200x64xf32, #tpu.memory_space<vmem>>
      %dma_wait3A_585 = arith.constant 0 : i32
      %dma_wait3A_586 = arith.constant 0 : i32
      %dma_wait3A_587 = tpu.memref_slice %arg2[%dma_wait3A_585, %dma_wait3A_586] : memref<1000000x64xf32, #tpu.memory_space<hbm>> -> memref<200x64xf32, #tpu.memory_space<hbm>>
      %dma_wait3A_588 = arith.constant 0 : i32
      %dma_wait3A_589 = arith.constant 0 : i32
      %dma_wait3A_590 = tpu.memref_slice %arg6[%dma_wait3A_580, %dma_wait3A_588, %dma_wait3A_589] : memref<8x200x64xf32, #tpu.memory_space<vmem>> -> memref<1x200x64xf32, #tpu.memory_space<vmem>>
      %dma_wait3A_591 = tpu.memref_squeeze %dma_wait3A_590 : memref<1x200x64xf32, #tpu.memory_space<vmem>> -> memref<200x64xf32, #tpu.memory_space<vmem>>
      %dma_wait3A_592 = arith.constant 0 : i32
      %dma_wait3A_593 = arith.constant 0 : i32
      %dma_wait3A_594 = tpu.memref_slice %arg2[%dma_wait3A_592, %dma_wait3A_593] : memref<1000000x64xf32, #tpu.memory_space<hbm>> -> memref<200x64xf32, #tpu.memory_space<hbm>>
      tpu.wait_dma2 semaphore(%arg14 : memref<!tpu.dma_semaphore, #tpu.memory_space<semaphore_mem>>) src(%dma_wait3A_594 : memref<200x64xf32, #tpu.memory_space<hbm>>) dst(%dma_wait3A_591 : memref<200x64xf32, #tpu.memory_space<vmem>>)
      %add3A_595 = arith.addi %mul3A_2, %add3A_579 : i32
      %dma_start3A_596 = arith.constant 6 : i32
      %dma_start3A_597 = arith.constant 0 : i32
      %dma_start3A_598 = arith.constant 0 : i32
      %dma_start3A_599 = tpu.memref_slice %arg6[%dma_start3A_596, %dma_start3A_597, %dma_start3A_598] : memref<8x200x64xf32, #tpu.memory_space<vmem>> -> memref<1x200x64xf32, #tpu.memory_space<vmem>>
      %dma_start3A_600 = tpu.memref_squeeze %dma_start3A_599 : memref<1x200x64xf32, #tpu.memory_space<vmem>> -> memref<200x64xf32, #tpu.memory_space<vmem>>
      %dma_start3A_601 = arith.constant 0 : i32
      %dma_start3A_602 = arith.constant 0 : i32
      %dma_start3A_603 = tpu.memref_slice %arg4[%add3A_595, %dma_start3A_601, %dma_start3A_602] : memref<4096x200x64xf32, #tpu.memory_space<hbm>> -> memref<1x200x64xf32, #tpu.memory_space<hbm>>
      %dma_start3A_604 = tpu.memref_squeeze %dma_start3A_603 : memref<1x200x64xf32, #tpu.memory_space<hbm>> -> memref<200x64xf32, #tpu.memory_space<hbm>>
      %dma_start3A_605 = arith.constant 0 : i32
      %dma_start3A_606 = arith.constant 0 : i32
      %dma_start3A_607 = tpu.memref_slice %arg4[%add3A_595, %dma_start3A_605, %dma_start3A_606] : memref<4096x200x64xf32, #tpu.memory_space<hbm>> -> memref<1x200x64xf32, #tpu.memory_space<hbm>>
      %dma_start3A_608 = tpu.memref_squeeze %dma_start3A_607 : memref<1x200x64xf32, #tpu.memory_space<hbm>> -> memref<200x64xf32, #tpu.memory_space<hbm>>
      %dma_start3A_609 = arith.constant 0 : i32
      %dma_start3A_610 = arith.constant 0 : i32
      %dma_start3A_611 = tpu.memref_slice %arg6[%dma_start3A_596, %dma_start3A_609, %dma_start3A_610] : memref<8x200x64xf32, #tpu.memory_space<vmem>> -> memref<1x200x64xf32, #tpu.memory_space<vmem>>
      %dma_start3A_612 = tpu.memref_squeeze %dma_start3A_611 : memref<1x200x64xf32, #tpu.memory_space<vmem>> -> memref<200x64xf32, #tpu.memory_space<vmem>>
      tpu.enqueue_dma source(%dma_start3A_612 : memref<200x64xf32, #tpu.memory_space<vmem>>) target(%dma_start3A_608 : memref<200x64xf32, #tpu.memory_space<hbm>>) target_semaphore(%arg14 : memref<!tpu.dma_semaphore, #tpu.memory_space<semaphore_mem>>)
      %lt3A_613 = arith.constant 15 : i32
      %lt3A_614 = arith.cmpi slt, %scan3A_325, %lt3A_613 : i32
      %convert_element_type3A_615 = arith.extui %lt3A_614 : i1 to i32
      %cond3A_616 = arith.constant 0 : i32
      %cond3A_617 = arith.cmpi ne, %convert_element_type3A_615, %cond3A_616 : i32
      scf.if %cond3A_617 {
        %dma_wait3A_661 = arith.constant 6 : i32
        %dma_wait3A_662 = arith.constant 0 : i32
        %dma_wait3A_663 = arith.constant 0 : i32
        %dma_wait3A_664 = tpu.memref_slice %arg6[%dma_wait3A_661, %dma_wait3A_662, %dma_wait3A_663] : memref<8x200x64xf32, #tpu.memory_space<vmem>> -> memref<1x200x64xf32, #tpu.memory_space<vmem>>
        %dma_wait3A_665 = tpu.memref_squeeze %dma_wait3A_664 : memref<1x200x64xf32, #tpu.memory_space<vmem>> -> memref<200x64xf32, #tpu.memory_space<vmem>>
        %dma_wait3A_666 = arith.constant 0 : i32
        %dma_wait3A_667 = arith.constant 0 : i32
        %dma_wait3A_668 = tpu.memref_slice %arg2[%dma_wait3A_666, %dma_wait3A_667] : memref<1000000x64xf32, #tpu.memory_space<hbm>> -> memref<200x64xf32, #tpu.memory_space<hbm>>
        %dma_wait3A_669 = arith.constant 0 : i32
        %dma_wait3A_670 = arith.constant 0 : i32
        %dma_wait3A_671 = tpu.memref_slice %arg6[%dma_wait3A_661, %dma_wait3A_669, %dma_wait3A_670] : memref<8x200x64xf32, #tpu.memory_space<vmem>> -> memref<1x200x64xf32, #tpu.memory_space<vmem>>
        %dma_wait3A_672 = tpu.memref_squeeze %dma_wait3A_671 : memref<1x200x64xf32, #tpu.memory_space<vmem>> -> memref<200x64xf32, #tpu.memory_space<vmem>>
        %dma_wait3A_673 = arith.constant 0 : i32
        %dma_wait3A_674 = arith.constant 0 : i32
        %dma_wait3A_675 = tpu.memref_slice %arg2[%dma_wait3A_673, %dma_wait3A_674] : memref<1000000x64xf32, #tpu.memory_space<hbm>> -> memref<200x64xf32, #tpu.memory_space<hbm>>
        tpu.wait_dma2 semaphore(%arg14 : memref<!tpu.dma_semaphore, #tpu.memory_space<semaphore_mem>>) src(%dma_wait3A_675 : memref<200x64xf32, #tpu.memory_space<hbm>>) dst(%dma_wait3A_672 : memref<200x64xf32, #tpu.memory_space<vmem>>)
        %add3A_676 = arith.constant 8 : i32
        %add3A_677 = arith.addi %add3A_579, %add3A_676 : i32
        %mul3A_678 = arith.constant 200 : i32
        %mul3A_679 = arith.muli %add3A_677, %mul3A_678 : i32
        %multiple_of3A_680 = tpu.assume_multiple %mul3A_679, 8 : i32
        %add3A_681 = arith.constant 0 : i32
        %add3A_682 = arith.addi %multiple_of3A_680, %add3A_681 : i32
        %dma_start3A_683 = arith.constant 6 : i32
        %dma_start3A_684 = arith.constant 0 : i32
        %dma_start3A_685 = arith.constant 0 : i32
        %dma_start3A_686 = tpu.memref_slice %arg6[%dma_start3A_683, %dma_start3A_684, %dma_start3A_685] : memref<8x200x64xf32, #tpu.memory_space<vmem>> -> memref<1x128x64xf32, #tpu.memory_space<vmem>>
        %dma_start3A_687 = tpu.memref_squeeze %dma_start3A_686 : memref<1x128x64xf32, #tpu.memory_space<vmem>> -> memref<128x64xf32, #tpu.memory_space<vmem>>
        %dma_start3A_688 = tpu.memref_slice %arg5[%add3A_682] : memref<25600xi32, #tpu.memory_space<vmem>> -> memref<128xi32, #tpu.memory_space<vmem>>
        %dma_start3A_689 = arith.constant 0 : i32
        %dma_start3A_690 = arith.constant 0 : i32
        %dma_start3A_691 = tpu.memref_slice %arg2[%dma_start3A_689, %dma_start3A_690] : memref<1000000x64xf32, #tpu.memory_space<hbm>> -> memref<1000000x64xf32, #tpu.memory_space<hbm>>
        tpu.enqueue_indirect_dma source(%dma_start3A_691 : memref<1000000x64xf32, #tpu.memory_space<hbm>>) target(%dma_start3A_687 : memref<128x64xf32, #tpu.memory_space<vmem>>) offsets(%dma_start3A_688 : memref<128xi32, #tpu.memory_space<vmem>>) semaphore(%arg14 : memref<!tpu.dma_semaphore, #tpu.memory_space<semaphore_mem>>)
        %add3A_692 = arith.constant 128 : i32
        %add3A_693 = arith.addi %multiple_of3A_680, %add3A_692 : i32
        %dma_start3A_694 = arith.constant 6 : i32
        %dma_start3A_695 = arith.constant 128 : i32
        %dma_start3A_696 = arith.constant 0 : i32
        %dma_start3A_697 = tpu.memref_slice %arg6[%dma_start3A_694, %dma_start3A_695, %dma_start3A_696] : memref<8x200x64xf32, #tpu.memory_space<vmem>> -> memref<1x72x64xf32, #tpu.memory_space<vmem>>
        %dma_start3A_698 = tpu.memref_squeeze %dma_start3A_697 : memref<1x72x64xf32, #tpu.memory_space<vmem>> -> memref<72x64xf32, #tpu.memory_space<vmem>>
        %dma_start3A_699 = tpu.memref_slice %arg5[%add3A_693] : memref<25600xi32, #tpu.memory_space<vmem>> -> memref<72xi32, #tpu.memory_space<vmem>>
        %dma_start3A_700 = arith.constant 0 : i32
        %dma_start3A_701 = arith.constant 0 : i32
        %dma_start3A_702 = tpu.memref_slice %arg2[%dma_start3A_700, %dma_start3A_701] : memref<1000000x64xf32, #tpu.memory_space<hbm>> -> memref<1000000x64xf32, #tpu.memory_space<hbm>>
        tpu.enqueue_indirect_dma source(%dma_start3A_702 : memref<1000000x64xf32, #tpu.memory_space<hbm>>) target(%dma_start3A_698 : memref<72x64xf32, #tpu.memory_space<vmem>>) offsets(%dma_start3A_699 : memref<72xi32, #tpu.memory_space<vmem>>) semaphore(%arg14 : memref<!tpu.dma_semaphore, #tpu.memory_space<semaphore_mem>>)
      } else {
      }
      %mul3A_618 = arith.constant 8 : i32
      %mul3A_619 = arith.muli %scan3A_325, %mul3A_618 : i32
      %add3A_620 = arith.constant 7 : i32
      %add3A_621 = arith.addi %mul3A_619, %add3A_620 : i32
      %dma_wait3A_622 = arith.constant 7 : i32
      %dma_wait3A_623 = arith.constant 0 : i32
      %dma_wait3A_624 = arith.constant 0 : i32
      %dma_wait3A_625 = tpu.memref_slice %arg6[%dma_wait3A_622, %dma_wait3A_623, %dma_wait3A_624] : memref<8x200x64xf32, #tpu.memory_space<vmem>> -> memref<1x200x64xf32, #tpu.memory_space<vmem>>
      %dma_wait3A_626 = tpu.memref_squeeze %dma_wait3A_625 : memref<1x200x64xf32, #tpu.memory_space<vmem>> -> memref<200x64xf32, #tpu.memory_space<vmem>>
      %dma_wait3A_627 = arith.constant 0 : i32
      %dma_wait3A_628 = arith.constant 0 : i32
      %dma_wait3A_629 = tpu.memref_slice %arg2[%dma_wait3A_627, %dma_wait3A_628] : memref<1000000x64xf32, #tpu.memory_space<hbm>> -> memref<200x64xf32, #tpu.memory_space<hbm>>
      %dma_wait3A_630 = arith.constant 0 : i32
      %dma_wait3A_631 = arith.constant 0 : i32
      %dma_wait3A_632 = tpu.memref_slice %arg6[%dma_wait3A_622, %dma_wait3A_630, %dma_wait3A_631] : memref<8x200x64xf32, #tpu.memory_space<vmem>> -> memref<1x200x64xf32, #tpu.memory_space<vmem>>
      %dma_wait3A_633 = tpu.memref_squeeze %dma_wait3A_632 : memref<1x200x64xf32, #tpu.memory_space<vmem>> -> memref<200x64xf32, #tpu.memory_space<vmem>>
      %dma_wait3A_634 = arith.constant 0 : i32
      %dma_wait3A_635 = arith.constant 0 : i32
      %dma_wait3A_636 = tpu.memref_slice %arg2[%dma_wait3A_634, %dma_wait3A_635] : memref<1000000x64xf32, #tpu.memory_space<hbm>> -> memref<200x64xf32, #tpu.memory_space<hbm>>
      tpu.wait_dma2 semaphore(%arg15 : memref<!tpu.dma_semaphore, #tpu.memory_space<semaphore_mem>>) src(%dma_wait3A_636 : memref<200x64xf32, #tpu.memory_space<hbm>>) dst(%dma_wait3A_633 : memref<200x64xf32, #tpu.memory_space<vmem>>)
      %add3A_637 = arith.addi %mul3A_2, %add3A_621 : i32
      %dma_start3A_638 = arith.constant 7 : i32
      %dma_start3A_639 = arith.constant 0 : i32
      %dma_start3A_640 = arith.constant 0 : i32
      %dma_start3A_641 = tpu.memref_slice %arg6[%dma_start3A_638, %dma_start3A_639, %dma_start3A_640] : memref<8x200x64xf32, #tpu.memory_space<vmem>> -> memref<1x200x64xf32, #tpu.memory_space<vmem>>
      %dma_start3A_642 = tpu.memref_squeeze %dma_start3A_641 : memref<1x200x64xf32, #tpu.memory_space<vmem>> -> memref<200x64xf32, #tpu.memory_space<vmem>>
      %dma_start3A_643 = arith.constant 0 : i32
      %dma_start3A_644 = arith.constant 0 : i32
      %dma_start3A_645 = tpu.memref_slice %arg4[%add3A_637, %dma_start3A_643, %dma_start3A_644] : memref<4096x200x64xf32, #tpu.memory_space<hbm>> -> memref<1x200x64xf32, #tpu.memory_space<hbm>>
      %dma_start3A_646 = tpu.memref_squeeze %dma_start3A_645 : memref<1x200x64xf32, #tpu.memory_space<hbm>> -> memref<200x64xf32, #tpu.memory_space<hbm>>
      %dma_start3A_647 = arith.constant 0 : i32
      %dma_start3A_648 = arith.constant 0 : i32
      %dma_start3A_649 = tpu.memref_slice %arg4[%add3A_637, %dma_start3A_647, %dma_start3A_648] : memref<4096x200x64xf32, #tpu.memory_space<hbm>> -> memref<1x200x64xf32, #tpu.memory_space<hbm>>
      %dma_start3A_650 = tpu.memref_squeeze %dma_start3A_649 : memref<1x200x64xf32, #tpu.memory_space<hbm>> -> memref<200x64xf32, #tpu.memory_space<hbm>>
      %dma_start3A_651 = arith.constant 0 : i32
      %dma_start3A_652 = arith.constant 0 : i32
      %dma_start3A_653 = tpu.memref_slice %arg6[%dma_start3A_638, %dma_start3A_651, %dma_start3A_652] : memref<8x200x64xf32, #tpu.memory_space<vmem>> -> memref<1x200x64xf32, #tpu.memory_space<vmem>>
      %dma_start3A_654 = tpu.memref_squeeze %dma_start3A_653 : memref<1x200x64xf32, #tpu.memory_space<vmem>> -> memref<200x64xf32, #tpu.memory_space<vmem>>
      tpu.enqueue_dma source(%dma_start3A_654 : memref<200x64xf32, #tpu.memory_space<vmem>>) target(%dma_start3A_650 : memref<200x64xf32, #tpu.memory_space<hbm>>) target_semaphore(%arg15 : memref<!tpu.dma_semaphore, #tpu.memory_space<semaphore_mem>>)
      %lt3A_655 = arith.constant 15 : i32
      %lt3A_656 = arith.cmpi slt, %scan3A_325, %lt3A_655 : i32
      %convert_element_type3A_657 = arith.extui %lt3A_656 : i1 to i32
      %cond3A_658 = arith.constant 0 : i32
      %cond3A_659 = arith.cmpi ne, %convert_element_type3A_657, %cond3A_658 : i32
      scf.if %cond3A_659 {
        %dma_wait3A_661 = arith.constant 7 : i32
        %dma_wait3A_662 = arith.constant 0 : i32
        %dma_wait3A_663 = arith.constant 0 : i32
        %dma_wait3A_664 = tpu.memref_slice %arg6[%dma_wait3A_661, %dma_wait3A_662, %dma_wait3A_663] : memref<8x200x64xf32, #tpu.memory_space<vmem>> -> memref<1x200x64xf32, #tpu.memory_space<vmem>>
        %dma_wait3A_665 = tpu.memref_squeeze %dma_wait3A_664 : memref<1x200x64xf32, #tpu.memory_space<vmem>> -> memref<200x64xf32, #tpu.memory_space<vmem>>
        %dma_wait3A_666 = arith.constant 0 : i32
        %dma_wait3A_667 = arith.constant 0 : i32
        %dma_wait3A_668 = tpu.memref_slice %arg2[%dma_wait3A_666, %dma_wait3A_667] : memref<1000000x64xf32, #tpu.memory_space<hbm>> -> memref<200x64xf32, #tpu.memory_space<hbm>>
        %dma_wait3A_669 = arith.constant 0 : i32
        %dma_wait3A_670 = arith.constant 0 : i32
        %dma_wait3A_671 = tpu.memref_slice %arg6[%dma_wait3A_661, %dma_wait3A_669, %dma_wait3A_670] : memref<8x200x64xf32, #tpu.memory_space<vmem>> -> memref<1x200x64xf32, #tpu.memory_space<vmem>>
        %dma_wait3A_672 = tpu.memref_squeeze %dma_wait3A_671 : memref<1x200x64xf32, #tpu.memory_space<vmem>> -> memref<200x64xf32, #tpu.memory_space<vmem>>
        %dma_wait3A_673 = arith.constant 0 : i32
        %dma_wait3A_674 = arith.constant 0 : i32
        %dma_wait3A_675 = tpu.memref_slice %arg2[%dma_wait3A_673, %dma_wait3A_674] : memref<1000000x64xf32, #tpu.memory_space<hbm>> -> memref<200x64xf32, #tpu.memory_space<hbm>>
        tpu.wait_dma2 semaphore(%arg15 : memref<!tpu.dma_semaphore, #tpu.memory_space<semaphore_mem>>) src(%dma_wait3A_675 : memref<200x64xf32, #tpu.memory_space<hbm>>) dst(%dma_wait3A_672 : memref<200x64xf32, #tpu.memory_space<vmem>>)
        %add3A_676 = arith.constant 8 : i32
        %add3A_677 = arith.addi %add3A_621, %add3A_676 : i32
        %mul3A_678 = arith.constant 200 : i32
        %mul3A_679 = arith.muli %add3A_677, %mul3A_678 : i32
        %multiple_of3A_680 = tpu.assume_multiple %mul3A_679, 8 : i32
        %add3A_681 = arith.constant 0 : i32
        %add3A_682 = arith.addi %multiple_of3A_680, %add3A_681 : i32
        %dma_start3A_683 = arith.constant 7 : i32
        %dma_start3A_684 = arith.constant 0 : i32
        %dma_start3A_685 = arith.constant 0 : i32
        %dma_start3A_686 = tpu.memref_slice %arg6[%dma_start3A_683, %dma_start3A_684, %dma_start3A_685] : memref<8x200x64xf32, #tpu.memory_space<vmem>> -> memref<1x128x64xf32, #tpu.memory_space<vmem>>
        %dma_start3A_687 = tpu.memref_squeeze %dma_start3A_686 : memref<1x128x64xf32, #tpu.memory_space<vmem>> -> memref<128x64xf32, #tpu.memory_space<vmem>>
        %dma_start3A_688 = tpu.memref_slice %arg5[%add3A_682] : memref<25600xi32, #tpu.memory_space<vmem>> -> memref<128xi32, #tpu.memory_space<vmem>>
        %dma_start3A_689 = arith.constant 0 : i32
        %dma_start3A_690 = arith.constant 0 : i32
        %dma_start3A_691 = tpu.memref_slice %arg2[%dma_start3A_689, %dma_start3A_690] : memref<1000000x64xf32, #tpu.memory_space<hbm>> -> memref<1000000x64xf32, #tpu.memory_space<hbm>>
        tpu.enqueue_indirect_dma source(%dma_start3A_691 : memref<1000000x64xf32, #tpu.memory_space<hbm>>) target(%dma_start3A_687 : memref<128x64xf32, #tpu.memory_space<vmem>>) offsets(%dma_start3A_688 : memref<128xi32, #tpu.memory_space<vmem>>) semaphore(%arg15 : memref<!tpu.dma_semaphore, #tpu.memory_space<semaphore_mem>>)
        %add3A_692 = arith.constant 128 : i32
        %add3A_693 = arith.addi %multiple_of3A_680, %add3A_692 : i32
        %dma_start3A_694 = arith.constant 7 : i32
        %dma_start3A_695 = arith.constant 128 : i32
        %dma_start3A_696 = arith.constant 0 : i32
        %dma_start3A_697 = tpu.memref_slice %arg6[%dma_start3A_694, %dma_start3A_695, %dma_start3A_696] : memref<8x200x64xf32, #tpu.memory_space<vmem>> -> memref<1x72x64xf32, #tpu.memory_space<vmem>>
        %dma_start3A_698 = tpu.memref_squeeze %dma_start3A_697 : memref<1x72x64xf32, #tpu.memory_space<vmem>> -> memref<72x64xf32, #tpu.memory_space<vmem>>
        %dma_start3A_699 = tpu.memref_slice %arg5[%add3A_693] : memref<25600xi32, #tpu.memory_space<vmem>> -> memref<72xi32, #tpu.memory_space<vmem>>
        %dma_start3A_700 = arith.constant 0 : i32
        %dma_start3A_701 = arith.constant 0 : i32
        %dma_start3A_702 = tpu.memref_slice %arg2[%dma_start3A_700, %dma_start3A_701] : memref<1000000x64xf32, #tpu.memory_space<hbm>> -> memref<1000000x64xf32, #tpu.memory_space<hbm>>
        tpu.enqueue_indirect_dma source(%dma_start3A_702 : memref<1000000x64xf32, #tpu.memory_space<hbm>>) target(%dma_start3A_698 : memref<72x64xf32, #tpu.memory_space<vmem>>) offsets(%dma_start3A_699 : memref<72xi32, #tpu.memory_space<vmem>>) semaphore(%arg15 : memref<!tpu.dma_semaphore, #tpu.memory_space<semaphore_mem>>)
      } else {
      }
      %scan3A_660 = arith.constant 0 : i32
      scf.yield %scan3A_660 : i32
    }
    %scan3A_204 = arith.constant 16 : i32
    %dma_wait3A_205 = arith.constant 0 : i32
    %dma_wait3A_206 = arith.constant 0 : i32
    %dma_wait3A_207 = arith.constant 0 : i32
    %dma_wait3A_208 = tpu.memref_slice %arg6[%dma_wait3A_205, %dma_wait3A_206, %dma_wait3A_207] : memref<8x200x64xf32, #tpu.memory_space<vmem>> -> memref<1x200x64xf32, #tpu.memory_space<vmem>>
    %dma_wait3A_209 = tpu.memref_squeeze %dma_wait3A_208 : memref<1x200x64xf32, #tpu.memory_space<vmem>> -> memref<200x64xf32, #tpu.memory_space<vmem>>
    %dma_wait3A_210 = arith.constant 0 : i32
    %dma_wait3A_211 = arith.constant 0 : i32
    %dma_wait3A_212 = tpu.memref_slice %arg2[%dma_wait3A_210, %dma_wait3A_211] : memref<1000000x64xf32, #tpu.memory_space<hbm>> -> memref<200x64xf32, #tpu.memory_space<hbm>>
    %dma_wait3A_213 = arith.constant 0 : i32
    %dma_wait3A_214 = arith.constant 0 : i32
    %dma_wait3A_215 = tpu.memref_slice %arg6[%dma_wait3A_205, %dma_wait3A_213, %dma_wait3A_214] : memref<8x200x64xf32, #tpu.memory_space<vmem>> -> memref<1x200x64xf32, #tpu.memory_space<vmem>>
    %dma_wait3A_216 = tpu.memref_squeeze %dma_wait3A_215 : memref<1x200x64xf32, #tpu.memory_space<vmem>> -> memref<200x64xf32, #tpu.memory_space<vmem>>
    %dma_wait3A_217 = arith.constant 0 : i32
    %dma_wait3A_218 = arith.constant 0 : i32
    %dma_wait3A_219 = tpu.memref_slice %arg2[%dma_wait3A_217, %dma_wait3A_218] : memref<1000000x64xf32, #tpu.memory_space<hbm>> -> memref<200x64xf32, #tpu.memory_space<hbm>>
    tpu.wait_dma2 semaphore(%arg8 : memref<!tpu.dma_semaphore, #tpu.memory_space<semaphore_mem>>) src(%dma_wait3A_219 : memref<200x64xf32, #tpu.memory_space<hbm>>) dst(%dma_wait3A_216 : memref<200x64xf32, #tpu.memory_space<vmem>>)
    %dma_wait3A_220 = arith.constant 1 : i32
    %dma_wait3A_221 = arith.constant 0 : i32
    %dma_wait3A_222 = arith.constant 0 : i32
    %dma_wait3A_223 = tpu.memref_slice %arg6[%dma_wait3A_220, %dma_wait3A_221, %dma_wait3A_222] : memref<8x200x64xf32, #tpu.memory_space<vmem>> -> memref<1x200x64xf32, #tpu.memory_space<vmem>>
    %dma_wait3A_224 = tpu.memref_squeeze %dma_wait3A_223 : memref<1x200x64xf32, #tpu.memory_space<vmem>> -> memref<200x64xf32, #tpu.memory_space<vmem>>
    %dma_wait3A_225 = arith.constant 0 : i32
    %dma_wait3A_226 = arith.constant 0 : i32
    %dma_wait3A_227 = tpu.memref_slice %arg2[%dma_wait3A_225, %dma_wait3A_226] : memref<1000000x64xf32, #tpu.memory_space<hbm>> -> memref<200x64xf32, #tpu.memory_space<hbm>>
    %dma_wait3A_228 = arith.constant 0 : i32
    %dma_wait3A_229 = arith.constant 0 : i32
    %dma_wait3A_230 = tpu.memref_slice %arg6[%dma_wait3A_220, %dma_wait3A_228, %dma_wait3A_229] : memref<8x200x64xf32, #tpu.memory_space<vmem>> -> memref<1x200x64xf32, #tpu.memory_space<vmem>>
    %dma_wait3A_231 = tpu.memref_squeeze %dma_wait3A_230 : memref<1x200x64xf32, #tpu.memory_space<vmem>> -> memref<200x64xf32, #tpu.memory_space<vmem>>
    %dma_wait3A_232 = arith.constant 0 : i32
    %dma_wait3A_233 = arith.constant 0 : i32
    %dma_wait3A_234 = tpu.memref_slice %arg2[%dma_wait3A_232, %dma_wait3A_233] : memref<1000000x64xf32, #tpu.memory_space<hbm>> -> memref<200x64xf32, #tpu.memory_space<hbm>>
    tpu.wait_dma2 semaphore(%arg9 : memref<!tpu.dma_semaphore, #tpu.memory_space<semaphore_mem>>) src(%dma_wait3A_234 : memref<200x64xf32, #tpu.memory_space<hbm>>) dst(%dma_wait3A_231 : memref<200x64xf32, #tpu.memory_space<vmem>>)
    %dma_wait3A_235 = arith.constant 2 : i32
    %dma_wait3A_236 = arith.constant 0 : i32
    %dma_wait3A_237 = arith.constant 0 : i32
    %dma_wait3A_238 = tpu.memref_slice %arg6[%dma_wait3A_235, %dma_wait3A_236, %dma_wait3A_237] : memref<8x200x64xf32, #tpu.memory_space<vmem>> -> memref<1x200x64xf32, #tpu.memory_space<vmem>>
    %dma_wait3A_239 = tpu.memref_squeeze %dma_wait3A_238 : memref<1x200x64xf32, #tpu.memory_space<vmem>> -> memref<200x64xf32, #tpu.memory_space<vmem>>
    %dma_wait3A_240 = arith.constant 0 : i32
    %dma_wait3A_241 = arith.constant 0 : i32
    %dma_wait3A_242 = tpu.memref_slice %arg2[%dma_wait3A_240, %dma_wait3A_241] : memref<1000000x64xf32, #tpu.memory_space<hbm>> -> memref<200x64xf32, #tpu.memory_space<hbm>>
    %dma_wait3A_243 = arith.constant 0 : i32
    %dma_wait3A_244 = arith.constant 0 : i32
    %dma_wait3A_245 = tpu.memref_slice %arg6[%dma_wait3A_235, %dma_wait3A_243, %dma_wait3A_244] : memref<8x200x64xf32, #tpu.memory_space<vmem>> -> memref<1x200x64xf32, #tpu.memory_space<vmem>>
    %dma_wait3A_246 = tpu.memref_squeeze %dma_wait3A_245 : memref<1x200x64xf32, #tpu.memory_space<vmem>> -> memref<200x64xf32, #tpu.memory_space<vmem>>
    %dma_wait3A_247 = arith.constant 0 : i32
    %dma_wait3A_248 = arith.constant 0 : i32
    %dma_wait3A_249 = tpu.memref_slice %arg2[%dma_wait3A_247, %dma_wait3A_248] : memref<1000000x64xf32, #tpu.memory_space<hbm>> -> memref<200x64xf32, #tpu.memory_space<hbm>>
    tpu.wait_dma2 semaphore(%arg10 : memref<!tpu.dma_semaphore, #tpu.memory_space<semaphore_mem>>) src(%dma_wait3A_249 : memref<200x64xf32, #tpu.memory_space<hbm>>) dst(%dma_wait3A_246 : memref<200x64xf32, #tpu.memory_space<vmem>>)
    %dma_wait3A_250 = arith.constant 3 : i32
    %dma_wait3A_251 = arith.constant 0 : i32
    %dma_wait3A_252 = arith.constant 0 : i32
    %dma_wait3A_253 = tpu.memref_slice %arg6[%dma_wait3A_250, %dma_wait3A_251, %dma_wait3A_252] : memref<8x200x64xf32, #tpu.memory_space<vmem>> -> memref<1x200x64xf32, #tpu.memory_space<vmem>>
    %dma_wait3A_254 = tpu.memref_squeeze %dma_wait3A_253 : memref<1x200x64xf32, #tpu.memory_space<vmem>> -> memref<200x64xf32, #tpu.memory_space<vmem>>
    %dma_wait3A_255 = arith.constant 0 : i32
    %dma_wait3A_256 = arith.constant 0 : i32
    %dma_wait3A_257 = tpu.memref_slice %arg2[%dma_wait3A_255, %dma_wait3A_256] : memref<1000000x64xf32, #tpu.memory_space<hbm>> -> memref<200x64xf32, #tpu.memory_space<hbm>>
    %dma_wait3A_258 = arith.constant 0 : i32
    %dma_wait3A_259 = arith.constant 0 : i32
    %dma_wait3A_260 = tpu.memref_slice %arg6[%dma_wait3A_250, %dma_wait3A_258, %dma_wait3A_259] : memref<8x200x64xf32, #tpu.memory_space<vmem>> -> memref<1x200x64xf32, #tpu.memory_space<vmem>>
    %dma_wait3A_261 = tpu.memref_squeeze %dma_wait3A_260 : memref<1x200x64xf32, #tpu.memory_space<vmem>> -> memref<200x64xf32, #tpu.memory_space<vmem>>
    %dma_wait3A_262 = arith.constant 0 : i32
    %dma_wait3A_263 = arith.constant 0 : i32
    %dma_wait3A_264 = tpu.memref_slice %arg2[%dma_wait3A_262, %dma_wait3A_263] : memref<1000000x64xf32, #tpu.memory_space<hbm>> -> memref<200x64xf32, #tpu.memory_space<hbm>>
    tpu.wait_dma2 semaphore(%arg11 : memref<!tpu.dma_semaphore, #tpu.memory_space<semaphore_mem>>) src(%dma_wait3A_264 : memref<200x64xf32, #tpu.memory_space<hbm>>) dst(%dma_wait3A_261 : memref<200x64xf32, #tpu.memory_space<vmem>>)
    %dma_wait3A_265 = arith.constant 4 : i32
    %dma_wait3A_266 = arith.constant 0 : i32
    %dma_wait3A_267 = arith.constant 0 : i32
    %dma_wait3A_268 = tpu.memref_slice %arg6[%dma_wait3A_265, %dma_wait3A_266, %dma_wait3A_267] : memref<8x200x64xf32, #tpu.memory_space<vmem>> -> memref<1x200x64xf32, #tpu.memory_space<vmem>>
    %dma_wait3A_269 = tpu.memref_squeeze %dma_wait3A_268 : memref<1x200x64xf32, #tpu.memory_space<vmem>> -> memref<200x64xf32, #tpu.memory_space<vmem>>
    %dma_wait3A_270 = arith.constant 0 : i32
    %dma_wait3A_271 = arith.constant 0 : i32
    %dma_wait3A_272 = tpu.memref_slice %arg2[%dma_wait3A_270, %dma_wait3A_271] : memref<1000000x64xf32, #tpu.memory_space<hbm>> -> memref<200x64xf32, #tpu.memory_space<hbm>>
    %dma_wait3A_273 = arith.constant 0 : i32
    %dma_wait3A_274 = arith.constant 0 : i32
    %dma_wait3A_275 = tpu.memref_slice %arg6[%dma_wait3A_265, %dma_wait3A_273, %dma_wait3A_274] : memref<8x200x64xf32, #tpu.memory_space<vmem>> -> memref<1x200x64xf32, #tpu.memory_space<vmem>>
    %dma_wait3A_276 = tpu.memref_squeeze %dma_wait3A_275 : memref<1x200x64xf32, #tpu.memory_space<vmem>> -> memref<200x64xf32, #tpu.memory_space<vmem>>
    %dma_wait3A_277 = arith.constant 0 : i32
    %dma_wait3A_278 = arith.constant 0 : i32
    %dma_wait3A_279 = tpu.memref_slice %arg2[%dma_wait3A_277, %dma_wait3A_278] : memref<1000000x64xf32, #tpu.memory_space<hbm>> -> memref<200x64xf32, #tpu.memory_space<hbm>>
    tpu.wait_dma2 semaphore(%arg12 : memref<!tpu.dma_semaphore, #tpu.memory_space<semaphore_mem>>) src(%dma_wait3A_279 : memref<200x64xf32, #tpu.memory_space<hbm>>) dst(%dma_wait3A_276 : memref<200x64xf32, #tpu.memory_space<vmem>>)
    %dma_wait3A_280 = arith.constant 5 : i32
    %dma_wait3A_281 = arith.constant 0 : i32
    %dma_wait3A_282 = arith.constant 0 : i32
    %dma_wait3A_283 = tpu.memref_slice %arg6[%dma_wait3A_280, %dma_wait3A_281, %dma_wait3A_282] : memref<8x200x64xf32, #tpu.memory_space<vmem>> -> memref<1x200x64xf32, #tpu.memory_space<vmem>>
    %dma_wait3A_284 = tpu.memref_squeeze %dma_wait3A_283 : memref<1x200x64xf32, #tpu.memory_space<vmem>> -> memref<200x64xf32, #tpu.memory_space<vmem>>
    %dma_wait3A_285 = arith.constant 0 : i32
    %dma_wait3A_286 = arith.constant 0 : i32
    %dma_wait3A_287 = tpu.memref_slice %arg2[%dma_wait3A_285, %dma_wait3A_286] : memref<1000000x64xf32, #tpu.memory_space<hbm>> -> memref<200x64xf32, #tpu.memory_space<hbm>>
    %dma_wait3A_288 = arith.constant 0 : i32
    %dma_wait3A_289 = arith.constant 0 : i32
    %dma_wait3A_290 = tpu.memref_slice %arg6[%dma_wait3A_280, %dma_wait3A_288, %dma_wait3A_289] : memref<8x200x64xf32, #tpu.memory_space<vmem>> -> memref<1x200x64xf32, #tpu.memory_space<vmem>>
    %dma_wait3A_291 = tpu.memref_squeeze %dma_wait3A_290 : memref<1x200x64xf32, #tpu.memory_space<vmem>> -> memref<200x64xf32, #tpu.memory_space<vmem>>
    %dma_wait3A_292 = arith.constant 0 : i32
    %dma_wait3A_293 = arith.constant 0 : i32
    %dma_wait3A_294 = tpu.memref_slice %arg2[%dma_wait3A_292, %dma_wait3A_293] : memref<1000000x64xf32, #tpu.memory_space<hbm>> -> memref<200x64xf32, #tpu.memory_space<hbm>>
    tpu.wait_dma2 semaphore(%arg13 : memref<!tpu.dma_semaphore, #tpu.memory_space<semaphore_mem>>) src(%dma_wait3A_294 : memref<200x64xf32, #tpu.memory_space<hbm>>) dst(%dma_wait3A_291 : memref<200x64xf32, #tpu.memory_space<vmem>>)
    %dma_wait3A_295 = arith.constant 6 : i32
    %dma_wait3A_296 = arith.constant 0 : i32
    %dma_wait3A_297 = arith.constant 0 : i32
    %dma_wait3A_298 = tpu.memref_slice %arg6[%dma_wait3A_295, %dma_wait3A_296, %dma_wait3A_297] : memref<8x200x64xf32, #tpu.memory_space<vmem>> -> memref<1x200x64xf32, #tpu.memory_space<vmem>>
    %dma_wait3A_299 = tpu.memref_squeeze %dma_wait3A_298 : memref<1x200x64xf32, #tpu.memory_space<vmem>> -> memref<200x64xf32, #tpu.memory_space<vmem>>
    %dma_wait3A_300 = arith.constant 0 : i32
    %dma_wait3A_301 = arith.constant 0 : i32
    %dma_wait3A_302 = tpu.memref_slice %arg2[%dma_wait3A_300, %dma_wait3A_301] : memref<1000000x64xf32, #tpu.memory_space<hbm>> -> memref<200x64xf32, #tpu.memory_space<hbm>>
    %dma_wait3A_303 = arith.constant 0 : i32
    %dma_wait3A_304 = arith.constant 0 : i32
    %dma_wait3A_305 = tpu.memref_slice %arg6[%dma_wait3A_295, %dma_wait3A_303, %dma_wait3A_304] : memref<8x200x64xf32, #tpu.memory_space<vmem>> -> memref<1x200x64xf32, #tpu.memory_space<vmem>>
    %dma_wait3A_306 = tpu.memref_squeeze %dma_wait3A_305 : memref<1x200x64xf32, #tpu.memory_space<vmem>> -> memref<200x64xf32, #tpu.memory_space<vmem>>
    %dma_wait3A_307 = arith.constant 0 : i32
    %dma_wait3A_308 = arith.constant 0 : i32
    %dma_wait3A_309 = tpu.memref_slice %arg2[%dma_wait3A_307, %dma_wait3A_308] : memref<1000000x64xf32, #tpu.memory_space<hbm>> -> memref<200x64xf32, #tpu.memory_space<hbm>>
    tpu.wait_dma2 semaphore(%arg14 : memref<!tpu.dma_semaphore, #tpu.memory_space<semaphore_mem>>) src(%dma_wait3A_309 : memref<200x64xf32, #tpu.memory_space<hbm>>) dst(%dma_wait3A_306 : memref<200x64xf32, #tpu.memory_space<vmem>>)
    %dma_wait3A_310 = arith.constant 7 : i32
    %dma_wait3A_311 = arith.constant 0 : i32
    %dma_wait3A_312 = arith.constant 0 : i32
    %dma_wait3A_313 = tpu.memref_slice %arg6[%dma_wait3A_310, %dma_wait3A_311, %dma_wait3A_312] : memref<8x200x64xf32, #tpu.memory_space<vmem>> -> memref<1x200x64xf32, #tpu.memory_space<vmem>>
    %dma_wait3A_314 = tpu.memref_squeeze %dma_wait3A_313 : memref<1x200x64xf32, #tpu.memory_space<vmem>> -> memref<200x64xf32, #tpu.memory_space<vmem>>
    %dma_wait3A_315 = arith.constant 0 : i32
    %dma_wait3A_316 = arith.constant 0 : i32
    %dma_wait3A_317 = tpu.memref_slice %arg2[%dma_wait3A_315, %dma_wait3A_316] : memref<1000000x64xf32, #tpu.memory_space<hbm>> -> memref<200x64xf32, #tpu.memory_space<hbm>>
    %dma_wait3A_318 = arith.constant 0 : i32
    %dma_wait3A_319 = arith.constant 0 : i32
    %dma_wait3A_320 = tpu.memref_slice %arg6[%dma_wait3A_310, %dma_wait3A_318, %dma_wait3A_319] : memref<8x200x64xf32, #tpu.memory_space<vmem>> -> memref<1x200x64xf32, #tpu.memory_space<vmem>>
    %dma_wait3A_321 = tpu.memref_squeeze %dma_wait3A_320 : memref<1x200x64xf32, #tpu.memory_space<vmem>> -> memref<200x64xf32, #tpu.memory_space<vmem>>
    %dma_wait3A_322 = arith.constant 0 : i32
    %dma_wait3A_323 = arith.constant 0 : i32
    %dma_wait3A_324 = tpu.memref_slice %arg2[%dma_wait3A_322, %dma_wait3A_323] : memref<1000000x64xf32, #tpu.memory_space<hbm>> -> memref<200x64xf32, #tpu.memory_space<hbm>>
    tpu.wait_dma2 semaphore(%arg15 : memref<!tpu.dma_semaphore, #tpu.memory_space<semaphore_mem>>) src(%dma_wait3A_324 : memref<200x64xf32, #tpu.memory_space<hbm>>) dst(%dma_wait3A_321 : memref<200x64xf32, #tpu.memory_space<vmem>>)
    return
  }
}

</mosaic_0001>

<sc_bundles>
// kernel: kernel.3.cloned.1.call-start
scs
__scs_entry_jumppad:
0x0: {  	(pc) =	sbr.rel $0x88, $3  }
0x1: {  	(tag) =	ssettag $0x0;
	lr =	simm.s32 $0x1  }
0x2: {  	[smem:$0x3F9F] =	sst lr;
	_ =	strace $0xD0000000  }
0x3: {  	_ = 	snop  }
0x4: {  	_ = 	snop  }
0x5: {  	_ = 	snop  }
0x6: {  	_ = 	snop  }
0x7: {  	_ = 	snop  }
__scs_overlays_trampoline_lowered:
0x8: {  	[smem:$0x3FAE] =	sst s0  }
0x9: {  	[smem:$0x3FAF] =	sst s1  }
0xa: {  	[smem:$0x3FB0] =	sst s2  }
0xb: {  	[smem:$0x3FB1] =	sst s3  }
0xc: {  	[smem:$0x3FB2] =	sst s4  }
0xd: {  	[smem:$0x3FB3] =	sst s5  }
0xe: {  	[smem:$0x3FB4] =	sst s6  }
0xf: {  	[smem:$0x3FB5] =	sst s7  }
0x10: {  	[smem:$0x3FB6] =	sst s8  }
0x11: {  	[smem:$0x3FB7] =	sst s9;
	s0 =	simm.s32 @!p0 $0x0  }
0x12: {  	s1 =	sld [smem:$0x3F9D];
	s0 =	simm.s32 @p0 $0x1  }
0x13: {  	[smem:$0x3FB8] =	sst s0;
	s0 =	simm.s32 @!p1 $0x0  }
0x14: {  	s2 =	sld [smem:$0x3F9C];
	s0 =	simm.s32 @p1 $0x1  }
0x15: {  	[smem:$0x3FB9] =	sst s0;
	s0 =	simm.s32 @!p2 $0x0  }
0x16: {  	s3 =	sld [smem:$0x3FDB];
	s0 =	simm.s32 @p2 $0x1  }
0x17: {  	s4 =	simm.s32 $0x1BF5;
	[smem:$0x3FBB] =	sst s0  }
0x18: {  	s0 =	sld [smem:$0x3F9E];
	_ =	swait.ge [sflag:s4], $0x0  }
0x19: {  	s7 =	sld [smem:$0x3F9F]  }
0x1a: {  	s8 =	sadd.s32 $0xFFFFE003, lr  }
0x1b: {  	s9 =	sadd.s32 $0xFFFFFEF7, lr;
	s5 =	simm.s32 $0xFFFFFFFF;
	p2 =	slt.u32 s8, $0xFFFFF086  }
0x1c: {  	p1 =	slt.u32 s9, $0xF7A;
	s5 =	simm.s32 @!p2 $0x0  }
0x1d: {  	s5 =	simm.s32 @p1 $0x1;
	p0 =	seq.s32 s7, s2  }
0x1e: {  	s7 =	smul.u32 @!p0 $0xF7A, s2;
	p2 =	seq.s32 @!p0 s5, $0x0  }
0x1f: {  	s9 =	smul.u32 $0xF7A, s1;
	s8 =	simm.s32 @!p0 $0x1BF5;
	p2 =	por !p2, p0  }
0x20: {  	[sflag:s8] =	ssyncset.s32 @!p0 $0xFFFFF086;
	s6 =	sadd.s32 @!p0 s3, s7;
	s7 =	simm.s32 @!p0 $0x108  }
0x21: {  	s3 =	sadd.s32 s3, s9;
	s6 =	sadd.s32 @!p0 $0x88, s6;
	s7 =	simm.s32 @p2 $0x1082  }
0x22: {  	[simem:s7], [sflag:s8] =	dma.local @!p0 [hbm:s6], $0xF7A  }
0x23: {  	s9 =	sor.u32 $0xD0000000, s2;
	s6 =	simm.s32 $0x108;
	_ =	swait.ge @!p0 [sflag:s8], $0x0  }
0x24: {  	s3 =	sadd.s32 $0x88, s3;
	s6 =	simm.s32 @!p1 $0x1082;
	[sflag:s4] =	ssyncset.s32 $0xFFFFF086  }
0x25: {  	[simem:s6], [sflag:s4] =	dma.local [hbm:s3], $0xF7A  }
0x26: {  	[smem:$0x3F9F] =	sst s1;
	(tag) =	ssettag s2;
	_ =	strace s9  }
0x27: {  	s1 =	sld [smem:$0x3FAF]  }
0x28: {  	s2 =	sld [smem:$0x3FB0]  }
0x29: {  	s4 =	sld [smem:$0x3FB2]  }
0x2a: {  	p0 =	seq.s32 s5, $0x0;
	s5 =	sld [smem:$0x3FB3]  }
0x2b: {  	s6 =	sld [smem:$0x3FB4]  }
0x2c: {  	s7 =	sld [smem:$0x3FB5]  }
0x2d: {  	s3 =	simm.s32 $0x108;
	s8 =	sld [smem:$0x3FB6]  }
0x2e: {  	s3 =	simm.s32 @!p0 $0x1082;
	s9 =	sld [smem:$0x3FB7]  }
0x2f: {  	lr =	sadd.s32 s0, s3;
	s0 =	sld [smem:$0x3FAE]  }
0x30: {  	s3 =	sld [smem:$0x3FB1]  }
0x31: {  	[smem:$0x3FBA] =	sst s10  }
0x32: {  	s10 =	sld [smem:$0x3FB8];
	_ =	sdelay $0x3  }
0x33: {  	p0 =	seq.s32 s10, $0x1;
	s10 =	sld [smem:$0x3FBA];
	_ =	sdelay $0x3  }
0x34: {  	[smem:$0x3FBA] =	sst s10  }
0x35: {  	s10 =	sld [smem:$0x3FB9];
	_ =	sdelay $0x3  }
0x36: {  	p1 =	seq.s32 s10, $0x1;
	s10 =	sld [smem:$0x3FBA];
	_ =	sdelay $0x3  }
0x37: {  	[smem:$0x3FBA] =	sst s10  }
0x38: {  	s10 =	sld [smem:$0x3FBB]  }
0x39: {  	_ = 	snop;
	(pc) =	sbr.ind lr, $3  }
0x3a: {  	_ = 	snop  }
0x3b: {  	_ = 	snop  }
0x3c: {  	p2 =	seq.s32 s10, $0x1;
	s10 =	sld [smem:$0x3FBA]  }
0x3d: {  	_ =	shalt  }
0x3e: {  	_ =	shalt  }
0x3f: {  	_ =	shalt  }
0x40: {  	_ =	shalt  }
0x41: {  	_ =	shalt  }
0x42: {  	_ =	shalt  }
0x43: {  	_ =	shalt  }
0x44: {  	_ =	shalt  }
0x45: {  	_ =	shalt  }
0x46: {  	_ =	shalt  }
0x47: {  	_ =	shalt  }
0x48: {  	_ =	shalt  }
0x49: {  	_ =	shalt  }
0x4a: {  	_ =	shalt  }
0x4b: {  	_ =	shalt  }
0x4c: {  	_ =	shalt  }
0x4d: {  	_ =	shalt  }
0x4e: {  	_ =	shalt  }
0x4f: {  	_ =	shalt  }
0x50: {  	_ =	shalt  }
0x51: {  	_ =	shalt  }
0x52: {  	_ =	shalt  }
0x53: {  	_ =	shalt  }
0x54: {  	_ =	shalt  }
0x55: {  	_ =	shalt  }
0x56: {  	_ =	shalt  }
0x57: {  	_ =	shalt  }
0x58: {  	_ =	shalt  }
0x59: {  	_ =	shalt  }
0x5a: {  	_ =	shalt  }
0x5b: {  	_ =	shalt  }
0x5c: {  	_ =	shalt  }
0x5d: {  	_ =	shalt  }
0x5e: {  	_ =	shalt  }
0x5f: {  	_ =	shalt  }
0x60: {  	_ =	shalt  }
0x61: {  	_ =	shalt  }
0x62: {  	_ =	shalt  }
0x63: {  	_ =	shalt  }
0x64: {  	_ =	shalt  }
0x65: {  	_ =	shalt  }
0x66: {  	_ =	shalt  }
0x67: {  	_ =	shalt  }
0x68: {  	_ =	shalt  }
0x69: {  	_ =	shalt  }
0x6a: {  	_ =	shalt  }
0x6b: {  	_ =	shalt  }
0x6c: {  	_ =	shalt  }
0x6d: {  	_ =	shalt  }
0x6e: {  	_ =	shalt  }
0x6f: {  	_ =	shalt  }
0x70: {  	_ =	shalt  }
0x71: {  	_ =	shalt  }
0x72: {  	_ =	shalt  }
0x73: {  	_ =	shalt  }
0x74: {  	_ =	shalt  }
0x75: {  	_ =	shalt  }
0x76: {  	_ =	shalt  }
0x77: {  	_ =	shalt  }
0x78: {  	_ =	shalt  }
0x79: {  	_ =	shalt  }
0x7a: {  	_ =	shalt  }
0x7b: {  	_ =	shalt  }
0x7c: {  	_ =	shalt  }
0x7d: {  	_ =	shalt  }
0x7e: {  	_ =	shalt  }
0x7f: {  	_ =	shalt  }
0x80: {  	_ =	shalt  }
0x81: {  	_ =	shalt  }
0x82: {  	_ =	shalt  }
0x83: {  	_ =	shalt  }
0x84: {  	_ =	shalt  }
0x85: {  	_ =	shalt  }
0x86: {  	_ =	shalt  }
0x87: {  	_ =	shalt  }
.Lfunc_end0:
.L_simem_size_0:
called_computation.1_lowered:
.L_overlay_start_0:
0x88: {  	s2 =	sld [smem:$0x3FD9]  }
0x89: {  	s3 =	sld [smem:$0x3FFE];
	_ =	sdelay $0x1  }
0x8a: {  	s1 =	srdreg.scid  }
0x8b: {  	s0 =	sand.u32 $0x1, s1  }
0x8c: {  	s17 =	sshll.u32 s0, $0xA;
	s2 =	sadd.s32 s3, s2  }
0x8d: {  	s2 =	sadd.s32 s2, s17  }
0x8e: {  	[smem:$0x3FC6] =	sst s2  }
0x8f: {  	_ = 	snop  }
0x90: {  	s2 =	sld [smem:$0x3FD0];
	(tm) =	ssettm $0x1  }
0x91: {  	s18 =	sld [smem:$0x3FFB];
	_ =	sdelay $0x3  }
0x92: {  	_ =	strace s18  }
0x93: {  	s3 =	sld [smem:$0x3FFC];
	_ =	sdelay $0x3  }
0x94: {  	_ =	strace s3  }
0x95: {  	s3 =	sld [smem:$0x3FFD];
	_ =	sdelay $0x3  }
0x96: {  	_ =	strace s3  }
0x97: {  	_ =	strace $0x8FFFFFFF  }
0x98: {  	s19 =	sld [smem:$0x3FDB];
	_ =	sdelay $0x1  }
0x99: {  	s4 =	simm.s32 $_scs_section_size  }
0x9a: {  	s5 =	simm.s32 $_size__tile_overlayer_lowered;
	s6 =	simm.s32 $_tile_overlayer_lowered  }
0x9b: {  	s22 =	simm.s32 $0x1BFF;
	s21 =	sshll.u32 s6, $0x1;
	s3 =	sadd.s32 s4, s19  }
0x9c: {  	s7 =	simm.s32 $0x0;
	s20 =	sshll.u32 s5, $0x1;
	s5 =	sadd.s32 s21, s3  }
0x9d: {  	[timem:s7], [sflag:s22] =	dma.local [hbm:s5], s20  }
0x9e: {  	_ =	swait.ge [sflag:s22], s20  }
0x9f: {  	s4 =	ssub.s32 $0x0, s20;
	[sflag:s22] =	ssyncset.done $0x0  }
0xa0: {  	[sflag:s22] =	ssyncadd.s32 s4;
	_ =	sdelay $0x1  }
0xa1: {  	s23 =	simm.s32 $0x1B8B  }
0xa2: {  	_ =	swait.ge [sflag:s23], $0x1  }
0xa3: {  	[sflag:s23] =	ssyncset.done $0x0  }
0xa4: {  	s25 =	simm.s32 $0x1B8E;
	s24 =	sld [smem:$0x3FFE];
	[sflag:s23] =	ssyncadd.s32 $0xFFFFFFFF  }
0xa5: {  	s26 =	simm.s32 $execute0_lowered;
	[smem:$0x3FD2] =	sst s25  }
0xa6: {  	s5 =	sshll.u32 s26, $0x1;
	_ =	strace $0x80000046;
	[dreg:$0x1] =	wrdreg $0xFFFFFFFF  }
0xa7: {  	s28 =	simm.s32 $_size_execute0_lowered;
	s3 =	sadd.s32 s3, s5;
	[dreg:$0x0] =	wrdreg $0x0  }
0xa8: {  	s5 =	sshll.u32 s28, $0x1;
	[dreg:$0x2] =	wrdreg s3  }
0xa9: {  	[dreg:$0x3] =	wrdreg s5  }
0xaa: {  	[dreg:$0x4] =	wrdreg $0xC0  }
0xab: {  	_ =	task [dreg:s7], $0x5FFFF  }
0xac: {  	[dreg:$0x1] =	wrdreg $0xFFFFFFFF  }
0xad: {  	[dreg:$0x0] =	wrdreg $0x60  }
0xae: {  	[dreg:$0x2] =	wrdreg s24  }
0xaf: {  	[dreg:$0x3] =	wrdreg s2  }
0xb0: {  	[dreg:$0x4] =	wrdreg $0x9  }
0xb1: {  	_ =	task.clear_ibuf [dreg:s7], $0x5FFFF;
	_ =	strace $0x90000046  }
0xb2: {  	s29 =	simm.s32 $0x9;
	_ =	strace $0x80000048  }
0xb3: {  	_ =	swait.ge [sflag:s29], $0x1  }
0xb4: {  	[sflag:s29] =	ssyncadd.s32 $0xFFFFFFFF  }
0xb5: {  	_ =	strace $0x90000048  }
0xb6: {  	_ =	sfence  }
0xb7: {  	s30 =	sld [smem:$0x0];
	_ =	sdelay $0x2  }
0xb8: {  	s31 =	sshll.u32 s1, $0xD;
	s1 =	sshrl.u32 s1, $0x2  }
0xb9: {  	s3 =	sand.u32 $0x4000, s31;
	s1 =	sadd.s32 s1, s30  }
0xba: {  	s0 =	sor.u32 s3, s0;
	s1 =	sshll.u32 s1, $0x11  }
0xbb: {  	s0 =	sor.u32 s1, s0  }
0xbc: {  	s0 =	sadd.s32 $0x8F2B, s0  }
0xbd: {  	[sflag:s0] =	ssyncadd.remote.s32 $0x1  }
0xbe: {  	_ =	sfence.sel $0xFFFF  }
0xbf: {  	[dreg:$0x0] =	wrdreg $0xFFFFFFFF;
	(pc) =	sbr.abs _section_cstart, $3  }
0xc0: {  	[dreg:$0x1] =	wrdreg $0xFFFFFFFF  }
0xc1: {  	_ =	task.clear_ibuf [dreg:s7], $0x2FFFF;
	_ =	strace $0x9FFFFFFF  }
0xc2: {  	(tm) =	ssettm $0x7FFFFFFF  }
0xc3: {  	_ =	shalt  }
tec
execute0_lowered:
.L_overlay_start_1:
0x0: {  	(tag) =	ssettag $0x1  }
0x1: {  	s0 =	rddreg [dreg:$0x0];
	s1 =	srdreg.scid  }
0x2: {  	s7 =	stileid.u32;
	s4 =	rddreg [dreg:$0x1]  }
0x3: {  	s2 =	simm.s32 $0x0;
	s9 =	simm.s32 $0x6400;
	s10 =	simm.s32 $0x48  }
0x4: {  	s13 =	simm.s32 $0x9600;
	s17 =	simm.s32 $0xC800;
	s21 =	simm.s32 $0xFA00  }
0x5: {  	s30 =	simm.s32 $0x15E00;
	s11 =	simm.s32 $0x19000;
	s16 =	simm.s32 $0x1C200  }
0x6: {  	s19 =	simm.s32 $0x1E200;
	s20 =	simm.s32 $0x2;
	s22 =	simm.s32 $0x3  }
0x7: {  	s23 =	simm.s32 $0x4;
	s28 =	simm.s32 $0x7;
	s29 =	simm.s32 $0x8  }
0x8: {  	s31 =	simm.s32 $0x9;
	s1 =	sand.u32 $0x1, s1;
	s3 =	sshll.u32 s7, $0x1  }
0x9: {  	[smem:$0x7FF] =	sst s2;
	s7 =	smul.u32 $0x64000, s7;
	s3 =	sor.u32 s1, s3  }
0xa: {  	_ =	strace $0x80000047;
	s6 =	ssub.s32 $0x2, s1;
	s1 =	smul.u32 $0x32000, s1  }
0xb: {  	s5 =	smul.u32 $0xC80, s3;
	s3 =	sadd.s32 $0xF42E00, s0;
	s8 =	sshrl.u32 s6, $0x1  }
.Ltmp0:
0xc: {  	s25 =	sadd.s32 s7, s4;
	s24 =	ssub.s32 s6, s8;
	(pc) =	sbr.rel .LBB2_1-.Ltmp0, $4  }
0xd: {  	s7 =	simm.s32 $0x1;
	s0 =	sadd.s32 s5, s0;
	s26 =	smax.u32 s24, $0x1  }
0xe: {  	s8 =	simm.s32 $0x80;
	s0 =	sadd.s32 $0xA00, s0;
	[dreg:$0x4] =	wrdreg s26  }
0xf: {  	s24 =	simm.s32 $0x5;
	s26 =	simm.s32 $0x6;
	[dreg:$0x3] =	wrdreg s0  }
0x10: {  	s0 =	sadd.s32 s1, s25;
	s25 =	simm.s32 $0x12C00;
	s1 =	simm.s32 $0x0  }
.LBB2_4:
0x11: {  	_ =	swait.ge [sflag:s20], $0x3200  }
0x12: {  	[sflag:s20] =	ssyncset.done $0x0  }
0x13: {  	[sflag:s20] =	ssyncadd.s32 $0xFFFFCE00  }
0x14: {  	_ =	swait.ge [sflag:s22], $0x3200  }
0x15: {  	[sflag:s22] =	ssyncset.done $0x0  }
0x16: {  	[sflag:s22] =	ssyncadd.s32 $0xFFFFCE00  }
0x17: {  	_ =	swait.ge [sflag:s23], $0x3200  }
0x18: {  	[sflag:s23] =	ssyncset.done $0x0  }
0x19: {  	[sflag:s23] =	ssyncadd.s32 $0xFFFFCE00  }
0x1a: {  	_ =	swait.ge [sflag:s24], $0x3200  }
0x1b: {  	[sflag:s24] =	ssyncset.done $0x0  }
0x1c: {  	[sflag:s24] =	ssyncadd.s32 $0xFFFFCE00  }
0x1d: {  	_ =	swait.ge [sflag:s26], $0x3200  }
0x1e: {  	[sflag:s26] =	ssyncset.done $0x0  }
0x1f: {  	[sflag:s26] =	ssyncadd.s32 $0xFFFFCE00  }
0x20: {  	_ =	swait.ge [sflag:s28], $0x3200  }
0x21: {  	[sflag:s28] =	ssyncset.done $0x0  }
0x22: {  	[sflag:s28] =	ssyncadd.s32 $0xFFFFCE00  }
0x23: {  	_ =	swait.ge [sflag:s29], $0x3200  }
0x24: {  	[sflag:s29] =	ssyncset.done $0x0  }
0x25: {  	[sflag:s29] =	ssyncadd.s32 $0xFFFFCE00  }
0x26: {  	_ =	swait.ge [sflag:s31], $0x3200  }
0x27: {  	s1 =	sadd.s32 $0x1, s1;
	s4 =	rddreg [dreg:$0x4]  }
0x28: {  	p0 =	sne.s32 s1, s4  }
.Ltmp1:
0x29: {  	_ = 	snop;
	(pc) =	sbr.rel @!p0 .LBB2_5-.Ltmp1, $3  }
0x2a: {  	_ =	sdelay $0x1  }
0x2b: {  	[sflag:s31] =	ssyncset.done $0x0  }
0x2c: {  	[sflag:s31] =	ssyncadd.s32 $0xFFFFCE00  }
.LBB2_1:
0x2d: {  	s4 =	rddreg [dreg:$0x3]  }
0x2e: {  	[tilespmem:s2], [sflag:$0x1] =	stream.linear.gather [hbm4b:s4+s2], $0x6400, $0x38;
	[tilespmem:$0x1F400] =	vst v63  }
0x2f: {  	_ =	swait.ge [sflag:s7], $0x6400  }
0x30: {  	[sflag:s7] =	ssyncset.done $0x0  }
0x31: {  	[sflag:s7] =	ssyncadd.s32 $0xFFFF9C00  }
0x32: {  	[tilespmem:s9], [sflag:$0x2] =	stream.indirect.gather [hbm4b:s3+s8], $0x40, s2, s8, $0xb8;
	[tilespmem:$0x1F400] =	vst v63  }
0x33: {  	s14 =	simm.s32 $0x8400  }
0x34: {  	[tilespmem:s14], [sflag:$0x2] =	stream.indirect.gather [hbm4b:s3+s10], $0x40, s8, s10, $0xb8;
	[tilespmem:$0x1F400] =	vst v63  }
0x35: {  	s15 =	simm.s32 $0xC8  }
0x36: {  	[tilespmem:s13], [sflag:$0x3] =	stream.indirect.gather [hbm4b:s3+s8], $0x40, s15, s8, $0xb8;
	[tilespmem:$0x1F400] =	vst v63  }
0x37: {  	s18 =	simm.s32 $0x148;
	s5 =	simm.s32 $0xB600  }
0x38: {  	[tilespmem:s5], [sflag:$0x3] =	stream.indirect.gather [hbm4b:s3+s10], $0x40, s18, s10, $0xb8;
	[tilespmem:$0x1F400] =	vst v63  }
0x39: {  	s5 =	simm.s32 $0x190  }
0x3a: {  	[tilespmem:s17], [sflag:$0x4] =	stream.indirect.gather [hbm4b:s3+s8], $0x40, s5, s8, $0xb8;
	[tilespmem:$0x1F400] =	vst v63  }
0x3b: {  	s6 =	simm.s32 $0x210;
	s12 =	simm.s32 $0xE800  }
0x3c: {  	[tilespmem:s12], [sflag:$0x4] =	stream.indirect.gather [hbm4b:s3+s10], $0x40, s6, s10, $0xb8;
	[tilespmem:$0x1F400] =	vst v63  }
0x3d: {  	s14 =	simm.s32 $0x258  }
0x3e: {  	[tilespmem:s21], [sflag:$0x5] =	stream.indirect.gather [hbm4b:s3+s8], $0x40, s14, s8, $0xb8;
	[tilespmem:$0x1F400] =	vst v63  }
0x3f: {  	s15 =	simm.s32 $0x2D8;
	s18 =	simm.s32 $0x11A00  }
0x40: {  	[tilespmem:s18], [sflag:$0x5] =	stream.indirect.gather [hbm4b:s3+s10], $0x40, s15, s10, $0xb8;
	[tilespmem:$0x1F400] =	vst v63  }
0x41: {  	s5 =	simm.s32 $0x320  }
0x42: {  	[tilespmem:s25], [sflag:$0x6] =	stream.indirect.gather [hbm4b:s3+s8], $0x40, s5, s8, $0xb8;
	[tilespmem:$0x1F400] =	vst v63  }
0x43: {  	s6 =	simm.s32 $0x3A0;
	s12 =	simm.s32 $0x14C00  }
0x44: {  	[tilespmem:s12], [sflag:$0x6] =	stream.indirect.gather [hbm4b:s3+s10], $0x40, s6, s10, $0xb8;
	[tilespmem:$0x1F400] =	vst v63  }
0x45: {  	s14 =	simm.s32 $0x3E8  }
0x46: {  	[tilespmem:s30], [sflag:$0x7] =	stream.indirect.gather [hbm4b:s3+s8], $0x40, s14, s8, $0xb8;
	[tilespmem:$0x1F400] =	vst v63  }
0x47: {  	s15 =	simm.s32 $0x468;
	s18 =	simm.s32 $0x17E00  }
0x48: {  	[tilespmem:s18], [sflag:$0x7] =	stream.indirect.gather [hbm4b:s3+s10], $0x40, s15, s10, $0xb8;
	[tilespmem:$0x1F400] =	vst v63  }
0x49: {  	s6 =	simm.s32 $0x4B0  }
0x4a: {  	[tilespmem:s11], [sflag:$0x8] =	stream.indirect.gather [hbm4b:s3+s8], $0x40, s6, s8, $0xb8;
	[tilespmem:$0x1F400] =	vst v63  }
0x4b: {  	s12 =	simm.s32 $0x530;
	s14 =	simm.s32 $0x1B000  }
0x4c: {  	[tilespmem:s14], [sflag:$0x8] =	stream.indirect.gather [hbm4b:s3+s10], $0x40, s12, s10, $0xb8;
	[tilespmem:$0x1F400] =	vst v63  }
0x4d: {  	s15 =	simm.s32 $0x578  }
0x4e: {  	[tilespmem:s16], [sflag:$0x9] =	stream.indirect.gather [hbm4b:s3+s8], $0x40, s15, s8, $0xb8;
	[tilespmem:$0x1F400] =	vst v63  }
0x4f: {  	s18 =	simm.s32 $0x5F8;
	s6 =	smov.u32 s0;
	s12 =	simm.s32 $0x0  }
0x50: {  	[tilespmem:s19], [sflag:$0x9] =	stream.indirect.gather [hbm4b:s3+s10], $0x40, s18, s10, $0xb8;
	[tilespmem:$0x1F400] =	vst v63  }
.LBB2_2:
0x51: {  	_ =	swait.ge [sflag:s20], $0x3200  }
0x52: {  	p0 =	seq.s32 s12, $0x17700;
	[sflag:s20] =	ssyncset.done $0x0  }
0x53: {  	s14 =	simm.s32 @!p0 $0x2;
	[sflag:s20] =	ssyncadd.s32 $0xFFFFCE00  }
0x54: {  	[hbm4b:s6+s2] =	stream.linear.scatter [tilespmem:s9], [sflag:$0x2], $0x3200, $0x38;
	[tilespmem:$0x1F400] =	vst v63  }
0x55: {  	_ =	swait.ge @!p0 [sflag:s14], $0x3200  }
0x56: {  	[sflag:s14] =	ssyncset.done @!p0 $0x0  }
0x57: {  	[sflag:s14] =	ssyncadd.s32 @!p0 $0xFFFFCE00;
	s14 =	sshra.s32 @!p0 s12, $0x2  }
0x58: {  	s15 =	simm.s32 @!p0 $0x80;
	s4 =	simm.s32 @!p0 $0x6400;
	s18 =	sadd.s32 @!p0 $0x640, s14  }
0x59: {  	[tilespmem:s4], [sflag:$0x2] =	stream.indirect.gather @!p0 [hbm4b:s3+s15], $0x40, s18, s15, $0xb8;
	[tilespmem:$0x1F400] =	vst v63  }
0x5a: {  	s5 =	simm.s32 @!p0 $0x8400;
	s4 =	sadd.s32 @!p0 $0x6C0, s14;
	s18 =	simm.s32 @!p0 $0x48  }
0x5b: {  	[tilespmem:s5], [sflag:$0x2] =	stream.indirect.gather @!p0 [hbm4b:s3+s18], $0x40, s4, s18, $0xb8;
	[tilespmem:$0x1F400] =	vst v63  }
0x5c: {  	_ =	swait.ge [sflag:s22], $0x3200  }
0x5d: {  	[sflag:s22] =	ssyncset.done $0x0  }
0x5e: {  	s5 =	sadd.s32 $0x640, s6;
	s4 =	simm.s32 @!p0 $0x3;
	[sflag:s22] =	ssyncadd.s32 $0xFFFFCE00  }
0x5f: {  	[hbm4b:s5+s2] =	stream.linear.scatter [tilespmem:s13], [sflag:$0x3], $0x3200, $0x38;
	[tilespmem:$0x1F400] =	vst v63  }
0x60: {  	_ =	swait.ge @!p0 [sflag:s4], $0x3200  }
0x61: {  	[sflag:s4] =	ssyncset.done @!p0 $0x0  }
0x62: {  	s5 =	simm.s32 @!p0 $0x9600;
	[sflag:s4] =	ssyncadd.s32 @!p0 $0xFFFFCE00;
	s4 =	sadd.s32 @!p0 $0x708, s14  }
0x63: {  	[tilespmem:s5], [sflag:$0x3] =	stream.indirect.gather @!p0 [hbm4b:s3+s15], $0x40, s4, s15, $0xb8;
	[tilespmem:$0x1F400] =	vst v63  }
0x64: {  	s4 =	sadd.s32 @!p0 $0x788, s14;
	s5 =	simm.s32 @!p0 $0xB600  }
0x65: {  	[tilespmem:s5], [sflag:$0x3] =	stream.indirect.gather @!p0 [hbm4b:s3+s18], $0x40, s4, s18, $0xb8;
	[tilespmem:$0x1F400] =	vst v63  }
0x66: {  	_ =	swait.ge [sflag:s23], $0x3200  }
0x67: {  	[sflag:s23] =	ssyncset.done $0x0  }
0x68: {  	s5 =	sadd.s32 $0xC80, s6;
	s4 =	simm.s32 @!p0 $0x4;
	[sflag:s23] =	ssyncadd.s32 $0xFFFFCE00  }
0x69: {  	[hbm4b:s5+s2] =	stream.linear.scatter [tilespmem:s17], [sflag:$0x4], $0x3200, $0x38;
	[tilespmem:$0x1F400] =	vst v63  }
0x6a: {  	_ =	swait.ge @!p0 [sflag:s4], $0x3200  }
0x6b: {  	[sflag:s4] =	ssyncset.done @!p0 $0x0  }
0x6c: {  	s5 =	simm.s32 @!p0 $0xC800;
	[sflag:s4] =	ssyncadd.s32 @!p0 $0xFFFFCE00;
	s4 =	sadd.s32 @!p0 $0x7D0, s14  }
0x6d: {  	[tilespmem:s5], [sflag:$0x4] =	stream.indirect.gather @!p0 [hbm4b:s3+s15], $0x40, s4, s15, $0xb8;
	[tilespmem:$0x1F400] =	vst v63  }
0x6e: {  	s4 =	sadd.s32 @!p0 $0x850, s14;
	s5 =	simm.s32 @!p0 $0xE800  }
0x6f: {  	[tilespmem:s5], [sflag:$0x4] =	stream.indirect.gather @!p0 [hbm4b:s3+s18], $0x40, s4, s18, $0xb8;
	[tilespmem:$0x1F400] =	vst v63  }
0x70: {  	_ =	swait.ge [sflag:s24], $0x3200  }
0x71: {  	[sflag:s24] =	ssyncset.done $0x0  }
0x72: {  	s5 =	sadd.s32 $0x12C0, s6;
	s4 =	simm.s32 @!p0 $0x5;
	[sflag:s24] =	ssyncadd.s32 $0xFFFFCE00  }
0x73: {  	[hbm4b:s5+s2] =	stream.linear.scatter [tilespmem:s21], [sflag:$0x5], $0x3200, $0x38;
	[tilespmem:$0x1F400] =	vst v63  }
0x74: {  	_ =	swait.ge @!p0 [sflag:s4], $0x3200  }
0x75: {  	[sflag:s4] =	ssyncset.done @!p0 $0x0  }
0x76: {  	s5 =	simm.s32 @!p0 $0xFA00;
	[sflag:s4] =	ssyncadd.s32 @!p0 $0xFFFFCE00;
	s4 =	sadd.s32 @!p0 $0x898, s14  }
0x77: {  	[tilespmem:s5], [sflag:$0x5] =	stream.indirect.gather @!p0 [hbm4b:s3+s15], $0x40, s4, s15, $0xb8;
	[tilespmem:$0x1F400] =	vst v63  }
0x78: {  	s4 =	sadd.s32 @!p0 $0x918, s14;
	s5 =	simm.s32 @!p0 $0x11A00  }
0x79: {  	[tilespmem:s5], [sflag:$0x5] =	stream.indirect.gather @!p0 [hbm4b:s3+s18], $0x40, s4, s18, $0xb8;
	[tilespmem:$0x1F400] =	vst v63  }
0x7a: {  	_ =	swait.ge [sflag:s26], $0x3200  }
0x7b: {  	[sflag:s26] =	ssyncset.done $0x0  }
0x7c: {  	s5 =	sadd.s32 $0x1900, s6;
	s4 =	simm.s32 @!p0 $0x6;
	[sflag:s26] =	ssyncadd.s32 $0xFFFFCE00  }
0x7d: {  	[hbm4b:s5+s2] =	stream.linear.scatter [tilespmem:s25], [sflag:$0x6], $0x3200, $0x38;
	[tilespmem:$0x1F400] =	vst v63  }
0x7e: {  	_ =	swait.ge @!p0 [sflag:s4], $0x3200  }
0x7f: {  	[sflag:s4] =	ssyncset.done @!p0 $0x0  }
0x80: {  	s5 =	simm.s32 @!p0 $0x12C00;
	[sflag:s4] =	ssyncadd.s32 @!p0 $0xFFFFCE00;
	s4 =	sadd.s32 @!p0 $0x960, s14  }
0x81: {  	[tilespmem:s5], [sflag:$0x6] =	stream.indirect.gather @!p0 [hbm4b:s3+s15], $0x40, s4, s15, $0xb8;
	[tilespmem:$0x1F400] =	vst v63  }
0x82: {  	s4 =	sadd.s32 @!p0 $0x9E0, s14;
	s5 =	simm.s32 @!p0 $0x14C00  }
0x83: {  	[tilespmem:s5], [sflag:$0x6] =	stream.indirect.gather @!p0 [hbm4b:s3+s18], $0x40, s4, s18, $0xb8;
	[tilespmem:$0x1F400] =	vst v63  }
0x84: {  	_ =	swait.ge [sflag:s28], $0x3200  }
0x85: {  	[sflag:s28] =	ssyncset.done $0x0  }
0x86: {  	s5 =	sadd.s32 $0x1F40, s6;
	s4 =	simm.s32 @!p0 $0x7;
	[sflag:s28] =	ssyncadd.s32 $0xFFFFCE00  }
0x87: {  	[hbm4b:s5+s2] =	stream.linear.scatter [tilespmem:s30], [sflag:$0x7], $0x3200, $0x38;
	[tilespmem:$0x1F400] =	vst v63  }
0x88: {  	_ =	swait.ge @!p0 [sflag:s4], $0x3200  }
0x89: {  	[sflag:s4] =	ssyncset.done @!p0 $0x0  }
0x8a: {  	s5 =	simm.s32 @!p0 $0x15E00;
	[sflag:s4] =	ssyncadd.s32 @!p0 $0xFFFFCE00;
	s4 =	sadd.s32 @!p0 $0xA28, s14  }
0x8b: {  	[tilespmem:s5], [sflag:$0x7] =	stream.indirect.gather @!p0 [hbm4b:s3+s15], $0x40, s4, s15, $0xb8;
	[tilespmem:$0x1F400] =	vst v63  }
0x8c: {  	s4 =	sadd.s32 @!p0 $0xAA8, s14;
	s5 =	simm.s32 @!p0 $0x17E00  }
0x8d: {  	[tilespmem:s5], [sflag:$0x7] =	stream.indirect.gather @!p0 [hbm4b:s3+s18], $0x40, s4, s18, $0xb8;
	[tilespmem:$0x1F400] =	vst v63  }
0x8e: {  	_ =	swait.ge [sflag:s29], $0x3200  }
0x8f: {  	[sflag:s29] =	ssyncset.done $0x0  }
0x90: {  	s5 =	sadd.s32 $0x2580, s6;
	s4 =	simm.s32 @!p0 $0x8;
	[sflag:s29] =	ssyncadd.s32 $0xFFFFCE00  }
0x91: {  	[hbm4b:s5+s2] =	stream.linear.scatter [tilespmem:s11], [sflag:$0x8], $0x3200, $0x38;
	[tilespmem:$0x1F400] =	vst v63  }
0x92: {  	_ =	swait.ge @!p0 [sflag:s4], $0x3200  }
0x93: {  	[sflag:s4] =	ssyncset.done @!p0 $0x0  }
0x94: {  	s5 =	simm.s32 @!p0 $0x19000;
	[sflag:s4] =	ssyncadd.s32 @!p0 $0xFFFFCE00;
	s4 =	sadd.s32 @!p0 $0xAF0, s14  }
0x95: {  	[tilespmem:s5], [sflag:$0x8] =	stream.indirect.gather @!p0 [hbm4b:s3+s15], $0x40, s4, s15, $0xb8;
	[tilespmem:$0x1F400] =	vst v63  }
0x96: {  	s4 =	sadd.s32 @!p0 $0xB70, s14;
	s5 =	simm.s32 @!p0 $0x1B000  }
0x97: {  	[tilespmem:s5], [sflag:$0x8] =	stream.indirect.gather @!p0 [hbm4b:s3+s18], $0x40, s4, s18, $0xb8;
	[tilespmem:$0x1F400] =	vst v63  }
.Ltmp2:
0x98: {  	_ = 	snop;
	(pc) =	sbr.rel @p0 .LBB2_4-.Ltmp2, $4  }
0x99: {  	_ =	swait.ge [sflag:s31], $0x3200  }
0x9a: {  	[sflag:s31] =	ssyncset.done $0x0  }
0x9b: {  	s18 =	sadd.s32 $0x2BC0, s6;
	[sflag:s31] =	ssyncadd.s32 $0xFFFFCE00  }
0x9c: {  	[hbm4b:s18+s2] =	stream.linear.scatter [tilespmem:s16], [sflag:$0x9], $0x3200, $0x38;
	[tilespmem:$0x1F400] =	vst v63  }
0x9d: {  	_ =	swait.ge [sflag:s31], $0x3200  }
.Ltmp3:
0x9e: {  	s4 =	sshra.s32 s12, $0x2;
	[sflag:s31] =	ssyncset.done $0x0;
	(pc) =	sbr.rel .LBB2_2-.Ltmp3, $4  }
0x9f: {  	s5 =	sadd.s32 $0xBB8, s4;
	[sflag:s31] =	ssyncadd.s32 $0xFFFFCE00  }
0xa0: {  	[tilespmem:s16], [sflag:$0x9] =	stream.indirect.gather [hbm4b:s3+s8], $0x40, s5, s8, $0xb8;
	[tilespmem:$0x1F400] =	vst v63  }
0xa1: {  	s12 =	sadd.s32 $0x1900, s12;
	s6 =	sadd.s32 $0x3200, s6;
	s4 =	sadd.s32 $0xC38, s4  }
0xa2: {  	[tilespmem:s19], [sflag:$0x9] =	stream.indirect.gather [hbm4b:s3+s10], $0x40, s4, s10, $0xb8;
	[tilespmem:$0x1F400] =	vst v63  }
.LBB2_5:
0xa3: {  	_ =	sfence.sel $0x180000  }
0xa4: {  	[bflag:$0x0] =	sbarrier.arrive $0xFFFF  }
0xa5: {  	_ =	strace $0x90000047  }
0xa6: {  	s0 =	stileid.u32;
	[bflag:$0x2] =	sbarrier.arrive $0xFFFF  }
0xa7: {  	p0 =	sne.s32 s0, $0x0;
	s0 =	rddreg [dreg:$0x2]  }
0xa8: {  	s0 =	sadd.s32 @!p0 $0x100000, s0  }
0xa9: {  	[sflag:s0] =	ssyncadd.tile.s32 @!p0 $0x1;
	_ =	shalt  }
.Lfunc_end2:
_tile_overlayer_lowered:
.L_overlay_start_2:
0xaa: {  	(tag) =	ssettag $0x2  }
0xab: {  	s0 =	rddreg [dreg:$0x0];
	s2 =	stileid.u32  }
0xac: {  	s1 =	rddreg [dreg:$0x1];
	p0 =	sne.s32 s2, $0x0  }
0xad: {  	s3 =	rddreg [dreg:$0x2];
	[bflag:$0x3] =	sbarrier.arrive $0xFFFF;
	s2 =	simm.s32 @!p0 $0x1C0A  }
0xae: {  	[timem:s3], [sflag:s2] =	dma.local @!p0 [hbm:s0], s1  }
0xaf: {  	s0 =	simm.s32 @!p0 $0xA  }
0xb0: {  	_ =	swait.ge @!p0 [sflag:s0], s1  }
0xb1: {  	s1 =	ssub.s32 @!p0 $0x0, s1;
	[sflag:s0] =	ssyncset.done @!p0 $0x0  }
0xb2: {  	[sflag:s0] =	ssyncadd.s32 @!p0 s1  }
0xb3: {  	[bflag:$0x3] =	sbarrier.arrive $0xFFFF  }
0xb4: {  	_ =	shalt  }

// kernel: sparse-core-data-format-call.cloned.1.call-start
scs
called_computation_lowered:
.L_overlay_start_0:
0x0: {  	s2 =	sld [smem:$0x3FD9]  }
0x1: {  	s3 =	sld [smem:$0x3FFE];
	_ =	sdelay $0x1  }
0x2: {  	s1 =	srdreg.scid  }
0x3: {  	s0 =	sand.u32 $0x1, s1  }
0x4: {  	s18 =	sshll.u32 s0, $0xA;
	s2 =	sadd.s32 s3, s2  }
0x5: {  	s2 =	sadd.s32 s2, s18  }
0x6: {  	[smem:$0x3FC6] =	sst s2  }
0x7: {  	_ = 	snop  }
0x8: {  	s2 =	sld [smem:$0x3FD0];
	(tm) =	ssettm $0x1  }
0x9: {  	s19 =	sld [smem:$0x3FFB];
	_ =	sdelay $0x3  }
0xa: {  	_ =	strace s19  }
0xb: {  	s3 =	sld [smem:$0x3FFC];
	_ =	sdelay $0x3  }
0xc: {  	_ =	strace s3  }
0xd: {  	s3 =	sld [smem:$0x3FFD];
	_ =	sdelay $0x3  }
0xe: {  	_ =	strace s3  }
0xf: {  	_ =	strace $0x8FFFFFFF  }
0x10: {  	s20 =	sld [smem:$0x3FDB];
	_ =	sdelay $0x1  }
0x11: {  	s4 =	simm.s32 $_scs_section_size  }
0x12: {  	s5 =	simm.s32 $_size__tile_overlayer_lowered;
	s6 =	simm.s32 $_tile_overlayer_lowered  }
0x13: {  	s23 =	simm.s32 $0x1BFF;
	s22 =	sshll.u32 s6, $0x1;
	s3 =	sadd.s32 s4, s20  }
0x14: {  	s7 =	simm.s32 $0x0;
	s21 =	sshll.u32 s5, $0x1;
	s5 =	sadd.s32 s22, s3  }
0x15: {  	[timem:s7], [sflag:s23] =	dma.local [hbm:s5], s21  }
0x16: {  	_ =	swait.ge [sflag:s23], s21  }
0x17: {  	s4 =	ssub.s32 $0x0, s21;
	[sflag:s23] =	ssyncset.done $0x0  }
0x18: {  	[sflag:s23] =	ssyncadd.s32 s4;
	_ =	sdelay $0x1  }
0x19: {  	s24 =	simm.s32 $0x1B8B  }
0x1a: {  	_ =	swait.ge [sflag:s24], $0x1  }
0x1b: {  	[sflag:s24] =	ssyncset.done $0x0  }
0x1c: {  	s26 =	simm.s32 $0x1B8E;
	s25 =	sld [smem:$0x3FFE];
	[sflag:s24] =	ssyncadd.s32 $0xFFFFFFFF  }
0x1d: {  	s27 =	simm.s32 $execute0_lowered;
	[smem:$0x3FD2] =	sst s26  }
0x1e: {  	s5 =	sshll.u32 s27, $0x1;
	_ =	strace $0x80000049;
	[dreg:$0x1] =	wrdreg $0xFFFFFFFF  }
0x1f: {  	s28 =	simm.s32 $_size_execute0_lowered;
	s3 =	sadd.s32 s3, s5;
	[dreg:$0x0] =	wrdreg $0x0  }
0x20: {  	s5 =	sshll.u32 s28, $0x1;
	[dreg:$0x2] =	wrdreg s3  }
0x21: {  	[dreg:$0x3] =	wrdreg s5  }
0x22: {  	[dreg:$0x4] =	wrdreg $0xC0  }
0x23: {  	_ =	task [dreg:s7], $0x5FFFF  }
0x24: {  	[dreg:$0x1] =	wrdreg $0xFFFFFFFF  }
0x25: {  	[dreg:$0x0] =	wrdreg $0x60  }
0x26: {  	[dreg:$0x2] =	wrdreg s25  }
0x27: {  	[dreg:$0x3] =	wrdreg s2  }
0x28: {  	[dreg:$0x4] =	wrdreg $0x9  }
0x29: {  	_ =	task.clear_ibuf [dreg:s7], $0x5FFFF;
	_ =	strace $0x90000049  }
0x2a: {  	s29 =	simm.s32 $0x9;
	_ =	strace $0x8000004B  }
0x2b: {  	_ =	swait.ge [sflag:s29], $0x1  }
0x2c: {  	[sflag:s29] =	ssyncadd.s32 $0xFFFFFFFF  }
0x2d: {  	_ =	strace $0x9000004B  }
0x2e: {  	_ =	sfence  }
0x2f: {  	s30 =	sld [smem:$0x0];
	_ =	sdelay $0x2  }
0x30: {  	s31 =	sshll.u32 s1, $0xD;
	s1 =	sshrl.u32 s1, $0x2  }
0x31: {  	s3 =	sand.u32 $0x4000, s31;
	s1 =	sadd.s32 s1, s30  }
0x32: {  	s0 =	sor.u32 s3, s0;
	s1 =	sshll.u32 s1, $0x11  }
0x33: {  	s0 =	sor.u32 s1, s0  }
0x34: {  	s0 =	sadd.s32 $0x8F2B, s0  }
0x35: {  	[sflag:s0] =	ssyncadd.remote.s32 $0x1  }
0x36: {  	_ =	sfence.sel $0xFFFF  }
0x37: {  	[dreg:$0x0] =	wrdreg $0xFFFFFFFF;
	(pc) =	sbr.abs _section_cstart, $3  }
0x38: {  	[dreg:$0x1] =	wrdreg $0xFFFFFFFF  }
0x39: {  	_ =	task.clear_ibuf [dreg:s7], $0x2FFFF;
	_ =	strace $0x9FFFFFFF  }
0x3a: {  	(tm) =	ssettm $0x7FFFFFFF  }
0x3b: {  	_ =	shalt  }
tec
execute0_lowered:
.L_overlay_start_1:
0x0: {  	(tag) =	ssettag $0x1  }
0x1: {  	s0 =	srdreg.scid  }
0x2: {  	s1 =	sshll.u32 s0, $0x4  }
0x3: {  	s0 =	stileid.u32;
	s1 =	sand.u32 $0x10, s1  }
0x4: {  	s1 =	sor.u32 s0, s1  }
0x5: {  	s6 =	rddreg [dreg:$0x0];
	s4 =	simm.s32 $0x1;
	s2 =	sshll.u32 s1, $0x7  }
0x6: {  	s7 =	simm.s32 $0x2;
	s12 =	simm.s32 $0x0;
	s1 =	ssub.s32 $0x1000, s2  }
0x7: {  	s8 =	simm.s32 $0x8000;
	s13 =	simm.s32 $0x0;
	s3 =	sand.u32 $0xF80, s1  }
0x8: {  	s9 =	simm.s32 $0x0;
	s5 =	sshrl.u32 s1, $0xC;
	p0 =	sne.s32 s3, $0x0  }
.Ltmp0:
0x9: {  	s1 =	rddreg [dreg:$0x2];
	s4 =	simm.s32 @!p0 $0x0;
	(pc) =	sbr.rel .LBB1_1-.Ltmp0, $4  }
0xa: {  	s11 =	simm.s32 $0x0;
	s3 =	rddreg [dreg:$0x1];
	s5 =	sadd.s32 s4, s5  }
0xb: {  	_ =	strace $0x8000004A;
	s4 =	simm.s32 $0x1;
	s5 =	smul.u32 $0xC8, s5  }
0xc: {  	s6 =	sadd.s32 $0xA00, s6;
	s10 =	smov.u32 s2;
	[sflag:s4] =	ssyncpa.u1 $0x0  }
0xd: {  	p0 =	por $0x0, $0x0;
	[sflag:s7] =	ssyncpa.u1 $0x0;
	s7 =	sor.u32 $0x1, s5  }
.LBB1_4:
0xe: {  	s16 =	sshll.u32 s13, $0x3;
	s17 =	sand.u32 $0x78, s13  }
0xf: {  	s30 =	sand.u32 $0x7E00, s13;
	s12 =	sshll.u32 s12, $0xF;
	s16 =	sand.u32 $0xC00, s16  }
0x10: {  	[tilespmem:s15+$0x810 ss:$0x81] =	vst.msk $0xffff, v2;
	s31 =	sand.u32 $0x7, s13;
	s16 =	sor.u32 s17, s16;
	s17 =	sadd.s32 s3, s30  }
0x11: {  	[tilespmem:s15+$0x1020 ss:$0x81] =	vst.msk $0xffff, v0;
	s13 =	sshll.u32 s31, $0x12;
	s12 =	sadd.s32 s12, s17;
	s16 =	sshrl.u32 s16, $0x3  }
0x12: {  	[tilespmem:s15+$0x0 ss:$0x81] =	vst.msk $0xffff, v1;
	s13 =	sor.u32 $0x400, s13;
	s12 =	sadd.s32 s16, s12  }
0x13: {  	[hbm4b:s12+s13] =	stream.strided.scatter [tilespmem:s14], [sflag:$0x2], $0x2000, s8, s13, $0x20;
	[tilespmem:$0x8080] =	vst v63  }
.LBB1_5:
0x14: {  	s14 =	sadd.s32 $0x1, s9  }
0x15: {  	s12 =	sadd.s32 $0x1000, s10;
	s16 =	smov.u32 s10;
	p2 =	sgt.s32 s14, $0xC7  }
0x16: {  	s16 =	smov.u32 @p2 s12  }
0x17: {  	s14 =	simm.s32 @p2 $0x0;
	p2 =	sgt.s32 s16, $0xFFF  }
0x18: {  	s16 =	smov.u32 @p2 s2;
	p2 =	sne.s32 s11, s7  }
.Ltmp1:
0x19: {  	p1 =	slt.u32 s11, $0x2;
	(pc) =	sbr.rel @!p2 .LBB1_6-.Ltmp1, $4  }
0x1a: {  	s15 =	simm.s32 @!p1 $0x2  }
0x1b: {  	s13 =	smov.u32 s10;
	p0 =	por !p0, !p0;
	_ =	swait.ge @!p1 [sflag:s15], $0x2000  }
0x1c: {  	s12 =	smov.u32 s9;
	[sflag:s15] =	ssyncset.done @!p1 $0x0;
	s9 =	smov.u32 s14  }
0x1d: {  	s11 =	sadd.s32 $0x1, s11;
	[sflag:s15] =	ssyncadd.s32 @!p1 $0xFFFFE000;
	s10 =	smov.u32 s16  }
.LBB1_1:
0x1e: {  	p1 =	sge.u32 s11, s5  }
0x1f: {  	s14 =	sand.u32 @!p1 $0x1FFFFFF, s9  }
0x20: {  	s15 =	smulhi.u32 @!p1 $0x147AE15, s14;
	_ =	sdelay $0x1  }
0x21: {  	s15 =	smul.u32 @!p1 $0xC8, s15  }
0x22: {  	s16 =	sxor.u32 @!p1 $0xFFFFFFFF, s11;
	s17 =	smul.u32 @!p1 $0xC80, s10  }
0x23: {  	s31 =	sadd.s32 $0xFFFFFFFF, s11;
	s16 =	sshll.u32 @!p1 s16, $0xD;
	s14 =	ssub.s32 @!p1 s14, s15  }
0x24: {  	s15 =	sand.u32 @!p1 $0x2000, s16;
	s16 =	sadd.s32 @!p1 s6, s17;
	s14 =	sshll.u32 @!p1 s14, $0x4  }
0x25: {  	s17 =	simm.s32 @!p1 $0x6400;
	s14 =	sadd.s32 @!p1 s14, s16;
	s16 =	simm.s32 @!p1 $0x40  }
0x26: {  	[tilespmem:s15], [sflag:$0x1] =	stream.strided.gather @!p1 [hbm4b:s14+s16], $0x2000, s17, s16, $0x38;
	[tilespmem:$0x8080] =	vst v63  }
0x27: {  	p1 =	sge.u32 s31, s5  }
.Ltmp2:
0x28: {  	_ = 	snop;
	(pc) =	sbr.rel @p1 .LBB1_5-.Ltmp2, $1  }
0x29: {  	_ =	sdelay $0x3  }
0x2a: {  	s14 =	simm.s32 $0x1  }
0x2b: {  	_ =	swait.ge [sflag:s4], $0x2000;
	s14 =	simm.s32 @!p0 $0x0  }
0x2c: {  	[sflag:s4] =	ssyncset.done $0x0;
	s15 =	sshll.u32 s14, $0xD  }
0x2d: {  	[sflag:s4] =	ssyncadd.s32 $0xFFFFE000;
	s18 =	sor.u32 $0x20, s15  }
0x2e: {  	s14 =	smul.u32 $0x8100, s14;
	v3 =	vld [tilespmem:s18+$0x10]  }
0x2f: {  	s30 =	sand.u32 $0x1, s11;
	v2 =	vld [tilespmem:s18+$0xFFFFFFF0]  }
0x30: {  	s15 =	smul.u32 $0x8100, s30;
	s14 =	sshrl.u32 s14, $0x2;
	v0 =	vld [tilespmem:s18+$0x0]  }
0x31: {  	v1 =	vld [tilespmem:s18+$0xFFFFFFE0];
	s16 =	sor.u32 $0x4000, s14  }
0x32: {  	s31 =	sshrl.u32 s15, $0x2;
	s15 =	sadd.s32 $0x0, s16  }
0x33: {  	s17 =	simm.s32 $0x4;
	s18 =	sadd.s32 $0x40, s18;
	s14 =	sor.u32 $0x4000, s31;
	[tilespmem:s15+$0x1830 ss:$0x81] =	vst.msk $0xffff, v3  }
.LBB1_3:
0x34: {  	v3 =	vld [tilespmem:s18+$0x10];
	p1 =	sne.s32 s17, $0x1FC;
	[tilespmem:s15+$0x810 ss:$0x81] =	vst.msk $0xffff, v2;
	s19 =	smov.u32 s17;
	s17 =	sadd.s32 $0x4, s17  }
.Ltmp3:
0x35: {  	v2 =	vld [tilespmem:s18+$0xFFFFFFF0];
	[tilespmem:s15+$0x1020 ss:$0x81] =	vst.msk $0xffff, v0;
	(pc) =	sbr.rel @p1 .LBB1_3-.Ltmp3, $4  }
0x36: {  	v0 =	vld [tilespmem:s18+$0x0];
	[tilespmem:s15+$0x0 ss:$0x81] =	vst.msk $0xffff, v1  }
0x37: {  	s15 =	sshra.s32 s19, $0x2;
	v1 =	vld [tilespmem:s18+$0xFFFFFFE0]  }
0x38: {  	s15 =	sadd.s32 s15, s16  }
0x39: {  	s18 =	sadd.s32 $0x40, s18;
	[tilespmem:s15+$0x1830 ss:$0x81] =	vst.msk $0xffff, v3  }
.Ltmp4:
0x3a: {  	_ = 	snop;
	(pc) =	sbr.rel .LBB1_4-.Ltmp4, $1  }
0x3b: {  	_ =	sdelay $0x3  }
.LBB1_6:
0x3c: {  	_ =	sfence.sel $0x180000  }
0x3d: {  	s2 =	simm.s32 $0x1;
	[bflag:$0x0] =	sbarrier.arrive $0xFFFF  }
0x3e: {  	s31 =	simm.s32 $0x2;
	[sflag:s2] =	ssyncpa.u1 $0x1  }
0x3f: {  	[sflag:s31] =	ssyncpa.u1 $0x1  }
0x40: {  	p0 =	sne.s32 s0, $0x0;
	_ =	strace $0x9000004A  }
0x41: {  	s0 =	sadd.s32 @!p0 $0x100000, s1;
	[bflag:$0x2] =	sbarrier.arrive $0xFFFF  }
0x42: {  	[sflag:s0] =	ssyncadd.tile.s32 @!p0 $0x1;
	_ =	shalt  }
.Lfunc_end1:
_tile_overlayer_lowered:
.L_overlay_start_2:
0x43: {  	(tag) =	ssettag $0x2  }
0x44: {  	s0 =	rddreg [dreg:$0x0];
	s2 =	stileid.u32  }
0x45: {  	s1 =	rddreg [dreg:$0x1];
	p0 =	sne.s32 s2, $0x0  }
0x46: {  	s3 =	rddreg [dreg:$0x2];
	[bflag:$0x3] =	sbarrier.arrive $0xFFFF;
	s2 =	simm.s32 @!p0 $0x1C01  }
0x47: {  	[timem:s3], [sflag:s2] =	dma.local @!p0 [hbm:s0], s1  }
0x48: {  	s0 =	simm.s32 @!p0 $0x1  }
0x49: {  	_ =	swait.ge @!p0 [sflag:s0], s1  }
0x4a: {  	s1 =	ssub.s32 @!p0 $0x0, s1;
	[sflag:s0] =	ssyncset.done @!p0 $0x0  }
0x4b: {  	[sflag:s0] =	ssyncadd.s32 @!p0 s1  }
0x4c: {  	[bflag:$0x3] =	sbarrier.arrive $0xFFFF  }
0x4d: {  	_ =	shalt  }

</sc_bundles>
